<compile_context>
chip_gen: v7x
topology: tpu7x:2x2x1
jax: 0.10.2.dev20260603
libtpu: 0.0.44.dev20260713+nightly
codegen_flags: <defaults>
</compile_context>

<pallas_src>
import functools

import jax
import jax.numpy as jnp
from jax import lax
from jax.experimental import pallas as pl
from jax.experimental.pallas import tpu as pltpu
from jax.experimental.pallas import tpu_sc as plsc

CHUNK = 128
NC, NS = 2, 16


def _chunk_split(e, nw):
    total = e // CHUNK
    return total // nw, total % nw


def _sc_segment_sum(rows_src, src, dst, n_pad, rows_per_tile, zeros_rows):
    v, d = rows_src.shape
    e = src.shape[0]
    nw = NC * NS
    chunks_per_w, chunk_rem = _chunk_split(e, nw)

    mesh = plsc.VectorSubcoreMesh(core_axis_name="c", subcore_axis_name="s")
    nb = chunks_per_w
    assert nb >= 3

    @functools.partial(
        pl.kernel,
        out_type=jax.ShapeDtypeStruct((NC, n_pad, d), jnp.float32),
        mesh=mesh,
        scratch_types=(
            [pltpu.VMEM((CHUNK,), jnp.int32)] * 6
            + [pltpu.VMEM((CHUNK, d), jnp.float32)] * 3
            + [pltpu.VMEM_SHARED((n_pad, d), jnp.float32)]
            + [pltpu.SemaphoreType.DMA] * 9
        ),
    )
    def agg_kernel(x_hbm, src_hbm, dst_hbm, z_hbm, out_hbm,
                   s0, s1, s2, d0, d1, d2, r0, r1, r2, acc_sh,
                   si0, si1, si2, sg0, sg1, sg2, ss0, ss1, ss2):
        c = lax.axis_index("c")
        s = lax.axis_index("s")
        wid = c * NS + s
        row0 = s * rows_per_tile

        pltpu.sync_copy(z_hbm, acc_sh.at[pl.ds(row0, rows_per_tile)])

        base = wid * nb

        def off(k):
            return (base + k) * CHUNK

        sbufs = (s0, s1, s2)
        dbufs = (d0, d1, d2)
        rbufs = (r0, r1, r2)
        isems = (si0, si1, si2)
        gsems = (sg0, sg1, sg2)
        ssems = (ss0, ss1, ss2)

        pltpu.sync_copy(src_hbm.at[pl.ds(off(0), CHUNK)], s0)
        pltpu.sync_copy(dst_hbm.at[pl.ds(off(0), CHUNK)], d0)
        pltpu.async_copy(x_hbm.at[s0], r0, sg0)
        pltpu.async_copy(src_hbm.at[pl.ds(off(1), CHUNK)], s1, si1)
        pltpu.async_copy(dst_hbm.at[pl.ds(off(1), CHUNK)], d1, si1)
        pltpu.async_copy(src_hbm.at[pl.ds(off(2), CHUNK)], s2, si2)
        pltpu.async_copy(dst_hbm.at[pl.ds(off(2), CHUNK)], d2, si2)
        plsc.subcore_barrier()

        def make_stage(m):
            n1, n2 = (m + 1) % 3, (m + 2) % 3

            def stage(k):
                @pl.when(k + 1 < nb)
                def _():
                    pltpu.make_async_copy(
                        src_hbm.at[pl.ds(off(k + 1), CHUNK)], sbufs[n1],
                        isems[n1]).wait()
                    pltpu.make_async_copy(
                        dst_hbm.at[pl.ds(off(k + 1), CHUNK)], dbufs[n1],
                        isems[n1]).wait()
                    pltpu.async_copy(x_hbm.at[sbufs[n1]], rbufs[n1],
                                     gsems[n1])

                @pl.when(k >= 1)
                def _():
                    pltpu.make_async_copy(
                        rbufs[n2], acc_sh.at[dbufs[n2]], ssems[n2]).wait()

                pltpu.make_async_copy(x_hbm.at[sbufs[m]], rbufs[m],
                                      gsems[m]).wait()
                pltpu.async_copy(rbufs[m], acc_sh.at[dbufs[m]], ssems[m],
                                 add=True)

                @pl.when(jnp.logical_and(k >= 1, k + 2 < nb))
                def _():
                    pltpu.async_copy(
                        src_hbm.at[pl.ds(off(k + 2), CHUNK)], sbufs[n2],
                        isems[n2])
                    pltpu.async_copy(
                        dst_hbm.at[pl.ds(off(k + 2), CHUNK)], dbufs[n2],
                        isems[n2])
            return stage

        stages = [make_stage(m) for m in range(3)]

        def loop_body(k, carry):
            m = k % 3

            @pl.when(m == 0)
            def _():
                stages[0](k)

            @pl.when(m == 1)
            def _():
                stages[1](k)

            @pl.when(m == 2)
            def _():
                stages[2](k)

            return carry

        lax.fori_loop(0, nb, loop_body, 0)
        mlast = (nb - 1) % 3
        pltpu.make_async_copy(rbufs[mlast], acc_sh.at[dbufs[mlast]],
                              ssems[mlast]).wait()

        @pl.when(wid < chunk_rem)
        def _():
            koff = (nw * nb + wid) * CHUNK
            pltpu.sync_copy(src_hbm.at[pl.ds(koff, CHUNK)], s0)
            pltpu.sync_copy(dst_hbm.at[pl.ds(koff, CHUNK)], d0)
            pltpu.async_copy(x_hbm.at[s0], r0, sg0).wait()
            pltpu.sync_copy(r0, acc_sh.at[d0], add=True)

        plsc.subcore_barrier()
        pltpu.sync_copy(acc_sh.at[pl.ds(row0, rows_per_tile)],
                        out_hbm.at[c, pl.ds(row0, rows_per_tile)])

    return agg_kernel(rows_src, src, dst, zeros_rows)


def _sc_counts(dst, n_pad, rows_per_tile, zeros_rows, d):
    e = dst.shape[0]
    nw = NC * NS
    chunks_per_w, chunk_rem = _chunk_split(e, nw)
    ones_rows = jnp.ones((CHUNK, d), jnp.float32)

    mesh = plsc.VectorSubcoreMesh(core_axis_name="c", subcore_axis_name="s")

    nb = chunks_per_w
    assert nb >= 3

    @functools.partial(
        pl.kernel,
        out_type=jax.ShapeDtypeStruct((NC, n_pad, d), jnp.float32),
        mesh=mesh,
        scratch_types=[
            pltpu.VMEM((CHUNK,), jnp.int32),
            pltpu.VMEM((CHUNK,), jnp.int32),
            pltpu.VMEM((CHUNK,), jnp.int32),
            pltpu.VMEM((CHUNK, d), jnp.float32),
            pltpu.VMEM_SHARED((n_pad, d), jnp.float32),
            pltpu.SemaphoreType.DMA,
            pltpu.SemaphoreType.DMA,
            pltpu.SemaphoreType.DMA,
            pltpu.SemaphoreType.DMA,
            pltpu.SemaphoreType.DMA,
            pltpu.SemaphoreType.DMA,
        ],
    )
    def cnt_kernel(dst_hbm, z_hbm, ones_hbm, out_hbm,
                   d0, d1, d2, ones_v, acc_sh,
                   si0, si1, si2, ss0, ss1, ss2):
        c = lax.axis_index("c")
        s = lax.axis_index("s")
        wid = c * NS + s
        row0 = s * rows_per_tile

        pltpu.sync_copy(z_hbm, acc_sh.at[pl.ds(row0, rows_per_tile)])
        pltpu.sync_copy(ones_hbm, ones_v)

        base = wid * nb

        def off(k):
            return (base + k) * CHUNK

        dbufs = (d0, d1, d2)
        isems = (si0, si1, si2)
        ssems = (ss0, ss1, ss2)

        pltpu.sync_copy(dst_hbm.at[pl.ds(off(0), CHUNK)], d0)
        pltpu.async_copy(dst_hbm.at[pl.ds(off(1), CHUNK)], d1, si1)
        pltpu.async_copy(dst_hbm.at[pl.ds(off(2), CHUNK)], d2, si2)
        plsc.subcore_barrier()

        def make_stage(m):
            cd, semi, sems = dbufs[m], isems[m], ssems[m]
            pd, psems = dbufs[(m + 2) % 3], ssems[(m + 2) % 3]
            nd, nsemi = dbufs[(m + 2) % 3], isems[(m + 2) % 3]

            def stage(k):
                @pl.when(k >= 1)
                def _():
                    pltpu.make_async_copy(ones_v, acc_sh.at[pd], psems).wait()

                @pl.when(k >= 1)
                def _():
                    pltpu.make_async_copy(
                        dst_hbm.at[pl.ds(off(k), CHUNK)], cd, semi).wait()

                pltpu.async_copy(ones_v, acc_sh.at[cd], sems, add=True)

                @pl.when(jnp.logical_and(k >= 1, k + 2 < nb))
                def _():
                    pltpu.async_copy(
                        dst_hbm.at[pl.ds(off(k + 2), CHUNK)], nd, nsemi)
            return stage

        stages = [make_stage(m) for m in range(3)]

        def loop_body(k, carry):
            m = k % 3

            @pl.when(m == 0)
            def _():
                stages[0](k)

            @pl.when(m == 1)
            def _():
                stages[1](k)

            @pl.when(m == 2)
            def _():
                stages[2](k)

            return carry

        lax.fori_loop(0, nb, loop_body, 0)
        last = dbufs[(nb - 1) % 3]
        pltpu.make_async_copy(ones_v, acc_sh.at[last],
                              ssems[(nb - 1) % 3]).wait()

        @pl.when(wid < chunk_rem)
        def _():
            pltpu.sync_copy(dst_hbm.at[pl.ds((nw * nb + wid) * CHUNK, CHUNK)],
                            d0)
            pltpu.sync_copy(ones_v, acc_sh.at[d0], add=True)

        plsc.subcore_barrier()
        pltpu.sync_copy(acc_sh.at[pl.ds(row0, rows_per_tile)],
                        out_hbm.at[c, pl.ds(row0, rows_per_tile)])

    return cnt_kernel(dst, zeros_rows, ones_rows)


def _tc_finish_body(agg_ref, cnt_ref, x_ref, wl_ref, wr_ref, b_ref, out_ref):
    agg = agg_ref[0] + agg_ref[1]
    cnt = cnt_ref[0, :, 0:1] + cnt_ref[1, :, 0:1]
    mean = agg / jnp.maximum(cnt, 1.0)
    dn = (((1,), (1,)), ((), ()))
    out_ref[...] = (
        lax.dot_general(mean, wl_ref[...], dn,
                        preferred_element_type=jnp.float32)
        + lax.dot_general(x_ref[...], wr_ref[...], dn,
                          preferred_element_type=jnp.float32)
        + b_ref[...]
    )


def _tc_finish(agg_part, cnt_part, x, w_l, b_l, w_r):
    n, d = x.shape
    blk = 400
    assert n % blk == 0
    grid = (n // blk,)
    return pl.pallas_call(
        _tc_finish_body,
        grid=grid,
        in_specs=[
            pl.BlockSpec((2, blk, d), lambda i: (0, i, 0)),
            pl.BlockSpec((2, blk, d), lambda i: (0, i, 0)),
            pl.BlockSpec((blk, d), lambda i: (i, 0)),
            pl.BlockSpec((d, d), lambda i: (0, 0)),
            pl.BlockSpec((d, d), lambda i: (0, 0)),
            pl.BlockSpec((1, d), lambda i: (0, 0)),
        ],
        out_specs=pl.BlockSpec((blk, d), lambda i: (i, 0)),
        out_shape=jax.ShapeDtypeStruct((n, d), jnp.float32),
    )(agg_part, cnt_part, x, w_l, w_r, b_l.reshape(1, d))


@jax.jit
def kernel(input_feature, edge_index, W_l, b_l, W_r):
    x = input_feature.astype(jnp.float32)
    src = edge_index[0].astype(jnp.int32)
    dst = edge_index[1].astype(jnp.int32)
    n, d = x.shape
    rows_per_tile = (-(-n // NS) + 7) // 8 * 8
    n_pad = rows_per_tile * NS
    zeros_rows = jnp.zeros((rows_per_tile, d), jnp.float32)
    agg_part = _sc_segment_sum(x, src, dst, n_pad, rows_per_tile, zeros_rows)
    cnt_part = _sc_counts(dst, n_pad, rows_per_tile, zeros_rows, d)
    return _tc_finish(agg_part, cnt_part, x, W_l, b_l, W_r)

# --- scband reference (transcript-rebuilt; emitter-appended) ---
"""Pipeline reference for scband-graph-sageconv-45655502356532 (READ-ONLY COPY).

The authoritative reference and input builder live on the scoring server;
editing this copy changes nothing except your own understanding.
"""

import jax, jax.numpy as jnp
import numpy as np

N = 10000
E = 320000
D_IN = 128
D_OUT = 128


def setup_inputs(seed: int = 0) -> dict:
    key = jax.random.key(seed)
    k1, k2, k3, k4 = jax.random.split(key, 4)
    x = jax.random.normal(k1, (N, D_IN), dtype=jnp.float32)
    edge_index = jax.random.randint(k2, (2, E), 0, N, dtype=jnp.int64)
    # SAGEConv params: lin_l (applied to aggregated neighbors, with bias),
    # lin_r (applied to root/self features, no bias) -- PyG defaults.
    scale_l = 1.0 / np.sqrt(D_IN)
    W_l = jax.random.uniform(k3, (D_OUT, D_IN), dtype=jnp.float32, minval=-scale_l, maxval=scale_l)
    b_l = jnp.zeros((D_OUT,), dtype=jnp.float32)
    W_r = jax.random.uniform(k4, (D_OUT, D_IN), dtype=jnp.float32, minval=-scale_l, maxval=scale_l)
    return {"input_feature": x, "edge_index": edge_index, "W_l": W_l, "b_l": b_l, "W_r": W_r}


def reference(input_feature, edge_index, W_l, b_l, W_r):
    # GraphSAGE (1 layer) = SAGEConv with mean aggregation:
    # out_i = W_l @ mean_{j in N(i)} x_j + b_l + W_r @ x_i
    src = edge_index[0]
    dst = edge_index[1]
    msgs = jnp.take(input_feature, src, axis=0)                      # gather  [E, D_IN]
    agg = jax.ops.segment_sum(msgs, dst, num_segments=N)             # scatter-add [N, D_IN]
    cnt = jax.ops.segment_sum(jnp.ones((E,), dtype=jnp.float32), dst, num_segments=N)
    cnt = jnp.clip(cnt, 1.0, None)
    mean_agg = agg / cnt[:, None]
    out = mean_agg @ W_l.T + b_l + input_feature @ W_r.T
    return out

if __name__ == "__main__":
    import jax
    _d = setup_inputs()
    print(jax.jit(kernel)(*tuple(_d.values())))

</pallas_src>

<mosaic_0001>
#map = affine_map<(d0, d1) -> (0, 0)>
#map1 = affine_map<(d0, d1) -> (0)>
#map2 = affine_map<(d0, d1) -> (0, 0, 0)>
module attributes {stable_mosaic.version = 14 : i64} {
  func.func @agg_kernel(%arg0: i32, %arg1: i32, %arg2: memref<10000x128xf32, #tpu.memory_space<hbm>>, %arg3: memref<320000xi32, #tpu.memory_space<hbm>>, %arg4: memref<320000xi32, #tpu.memory_space<hbm>>, %arg5: memref<632x128xf32, #tpu.memory_space<hbm>>, %arg6: memref<2x10112x128xf32, #tpu.memory_space<hbm>>, %arg7: memref<128xi32, #tpu.memory_space<vmem>>, %arg8: memref<128xi32, #tpu.memory_space<vmem>>, %arg9: memref<128xi32, #tpu.memory_space<vmem>>, %arg10: memref<128xi32, #tpu.memory_space<vmem>>, %arg11: memref<128xi32, #tpu.memory_space<vmem>>, %arg12: memref<128xi32, #tpu.memory_space<vmem>>, %arg13: memref<128x128xf32, #tpu.memory_space<vmem>>, %arg14: memref<128x128xf32, #tpu.memory_space<vmem>>, %arg15: memref<128x128xf32, #tpu.memory_space<vmem>>, %arg16: memref<10112x128xf32, #tpu.memory_space<vmem_shared>>, %arg17: memref<!tpu.dma_semaphore, #tpu.memory_space<semaphore_mem>>, %arg18: memref<!tpu.dma_semaphore, #tpu.memory_space<semaphore_mem>>, %arg19: memref<!tpu.dma_semaphore, #tpu.memory_space<semaphore_mem>>, %arg20: memref<!tpu.dma_semaphore, #tpu.memory_space<semaphore_mem>>, %arg21: memref<!tpu.dma_semaphore, #tpu.memory_space<semaphore_mem>>, %arg22: memref<!tpu.dma_semaphore, #tpu.memory_space<semaphore_mem>>, %arg23: memref<!tpu.dma_semaphore, #tpu.memory_space<semaphore_mem>>, %arg24: memref<!tpu.dma_semaphore, #tpu.memory_space<semaphore_mem>>, %arg25: memref<!tpu.dma_semaphore, #tpu.memory_space<semaphore_mem>>) attributes {dimension_semantics = [#tpu.dimension_semantics<core_parallel>, #tpu.dimension_semantics<subcore_parallel>], iteration_bounds = array<i64: 2, 16>, scalar_prefetch = 0 : i64, scratch_operands = 19 : i64, tpu.core_type = #tpu.core_type<sc_vector_subcore>, window_params = [{transform_indices = #map}, {transform_indices = #map1}, {transform_indices = #map1}, {transform_indices = #map}, {transform_indices = #map2}]} {
    %mul3A = arith.constant 16 : i32
    %mul3A_0 = arith.muli %arg0, %mul3A : i32
    %add3A = arith.addi %mul3A_0, %arg1 : i32
    %mul3A_1 = arith.constant 632 : i32
    %mul3A_2 = arith.muli %arg1, %mul3A_1 : i32
    "tpu.region"() ({
      %run_scoped3A = tpu.sem_alloc : memref<!tpu.dma_semaphore, #tpu.memory_space<semaphore_mem>>
      %dma_start3A_49 = arith.constant 0 : i32
      %dma_start3A_50 = tpu.memref_slice %arg16[%mul3A_2, %dma_start3A_49] : memref<10112x128xf32, #tpu.memory_space<vmem_shared>> -> memref<632x128xf32, #tpu.memory_space<vmem_shared>>
      tpu.enqueue_dma source(%arg5 : memref<632x128xf32, #tpu.memory_space<hbm>>) target(%dma_start3A_50 : memref<632x128xf32, #tpu.memory_space<vmem_shared>>) target_semaphore(%run_scoped3A : memref<!tpu.dma_semaphore, #tpu.memory_space<semaphore_mem>>)
      %dma_wait3A_51 = arith.constant 0 : i32
      %dma_wait3A_52 = tpu.memref_slice %arg16[%mul3A_2, %dma_wait3A_51] : memref<10112x128xf32, #tpu.memory_space<vmem_shared>> -> memref<632x128xf32, #tpu.memory_space<vmem_shared>>
      tpu.wait_dma2 semaphore(%run_scoped3A : memref<!tpu.dma_semaphore, #tpu.memory_space<semaphore_mem>>) src(%arg5 : memref<632x128xf32, #tpu.memory_space<hbm>>) dst(%dma_wait3A_52 : memref<632x128xf32, #tpu.memory_space<vmem_shared>>)
      tpu.yield
    }) : () -> ()
    %mul3A_3 = arith.constant 78 : i32
    %mul3A_4 = arith.muli %add3A, %mul3A_3 : i32
    %add3A_5 = arith.constant 0 : i32
    %add3A_6 = arith.addi %mul3A_4, %add3A_5 : i32
    %mul3A_7 = arith.constant 128 : i32
    %mul3A_8 = arith.muli %add3A_6, %mul3A_7 : i32
    "tpu.region"() ({
      %run_scoped3A = tpu.sem_alloc : memref<!tpu.dma_semaphore, #tpu.memory_space<semaphore_mem>>
      %dma_start3A_49 = tpu.memref_slice %arg3[%mul3A_8] : memref<320000xi32, #tpu.memory_space<hbm>> -> memref<128xi32, #tpu.memory_space<hbm>>
      %dma_start3A_50 = tpu.memref_slice %arg3[%mul3A_8] : memref<320000xi32, #tpu.memory_space<hbm>> -> memref<128xi32, #tpu.memory_space<hbm>>
      tpu.enqueue_dma source(%dma_start3A_50 : memref<128xi32, #tpu.memory_space<hbm>>) target(%arg7 : memref<128xi32, #tpu.memory_space<vmem>>) target_semaphore(%run_scoped3A : memref<!tpu.dma_semaphore, #tpu.memory_space<semaphore_mem>>)
      %dma_wait3A_51 = tpu.memref_slice %arg3[%mul3A_8] : memref<320000xi32, #tpu.memory_space<hbm>> -> memref<128xi32, #tpu.memory_space<hbm>>
      %dma_wait3A_52 = tpu.memref_slice %arg3[%mul3A_8] : memref<320000xi32, #tpu.memory_space<hbm>> -> memref<128xi32, #tpu.memory_space<hbm>>
      tpu.wait_dma2 semaphore(%run_scoped3A : memref<!tpu.dma_semaphore, #tpu.memory_space<semaphore_mem>>) src(%dma_wait3A_52 : memref<128xi32, #tpu.memory_space<hbm>>) dst(%arg7 : memref<128xi32, #tpu.memory_space<vmem>>)
      tpu.yield
    }) : () -> ()
    %add3A_9 = arith.constant 0 : i32
    %add3A_10 = arith.addi %mul3A_4, %add3A_9 : i32
    %mul3A_11 = arith.constant 128 : i32
    %mul3A_12 = arith.muli %add3A_10, %mul3A_11 : i32
    "tpu.region"() ({
      %run_scoped3A = tpu.sem_alloc : memref<!tpu.dma_semaphore, #tpu.memory_space<semaphore_mem>>
      %dma_start3A_49 = tpu.memref_slice %arg4[%mul3A_12] : memref<320000xi32, #tpu.memory_space<hbm>> -> memref<128xi32, #tpu.memory_space<hbm>>
      %dma_start3A_50 = tpu.memref_slice %arg4[%mul3A_12] : memref<320000xi32, #tpu.memory_space<hbm>> -> memref<128xi32, #tpu.memory_space<hbm>>
      tpu.enqueue_dma source(%dma_start3A_50 : memref<128xi32, #tpu.memory_space<hbm>>) target(%arg10 : memref<128xi32, #tpu.memory_space<vmem>>) target_semaphore(%run_scoped3A : memref<!tpu.dma_semaphore, #tpu.memory_space<semaphore_mem>>)
      %dma_wait3A_51 = tpu.memref_slice %arg4[%mul3A_12] : memref<320000xi32, #tpu.memory_space<hbm>> -> memref<128xi32, #tpu.memory_space<hbm>>
      %dma_wait3A_52 = tpu.memref_slice %arg4[%mul3A_12] : memref<320000xi32, #tpu.memory_space<hbm>> -> memref<128xi32, #tpu.memory_space<hbm>>
      tpu.wait_dma2 semaphore(%run_scoped3A : memref<!tpu.dma_semaphore, #tpu.memory_space<semaphore_mem>>) src(%dma_wait3A_52 : memref<128xi32, #tpu.memory_space<hbm>>) dst(%arg10 : memref<128xi32, #tpu.memory_space<vmem>>)
      tpu.yield
    }) : () -> ()
    %dma_start3A = arith.constant 0 : i32
    %dma_start3A_13 = arith.constant 0 : i32
    %dma_start3A_14 = tpu.memref_slice %arg2[%dma_start3A, %dma_start3A_13] : memref<10000x128xf32, #tpu.memory_space<hbm>> -> memref<10000x128xf32, #tpu.memory_space<hbm>>
    tpu.enqueue_indirect_dma source(%dma_start3A_14 : memref<10000x128xf32, #tpu.memory_space<hbm>>) target(%arg13 : memref<128x128xf32, #tpu.memory_space<vmem>>) offsets(%arg7 : memref<128xi32, #tpu.memory_space<vmem>>) semaphore(%arg20 : memref<!tpu.dma_semaphore, #tpu.memory_space<semaphore_mem>>)
    %add3A_15 = arith.constant 1 : i32
    %add3A_16 = arith.addi %mul3A_4, %add3A_15 : i32
    %mul3A_17 = arith.constant 128 : i32
    %mul3A_18 = arith.muli %add3A_16, %mul3A_17 : i32
    %dma_start3A_19 = tpu.memref_slice %arg3[%mul3A_18] : memref<320000xi32, #tpu.memory_space<hbm>> -> memref<128xi32, #tpu.memory_space<hbm>>
    %dma_start3A_20 = tpu.memref_slice %arg3[%mul3A_18] : memref<320000xi32, #tpu.memory_space<hbm>> -> memref<128xi32, #tpu.memory_space<hbm>>
    tpu.enqueue_dma source(%dma_start3A_20 : memref<128xi32, #tpu.memory_space<hbm>>) target(%arg8 : memref<128xi32, #tpu.memory_space<vmem>>) target_semaphore(%arg18 : memref<!tpu.dma_semaphore, #tpu.memory_space<semaphore_mem>>)
    %add3A_21 = arith.constant 1 : i32
    %add3A_22 = arith.addi %mul3A_4, %add3A_21 : i32
    %mul3A_23 = arith.constant 128 : i32
    %mul3A_24 = arith.muli %add3A_22, %mul3A_23 : i32
    %dma_start3A_25 = tpu.memref_slice %arg4[%mul3A_24] : memref<320000xi32, #tpu.memory_space<hbm>> -> memref<128xi32, #tpu.memory_space<hbm>>
    %dma_start3A_26 = tpu.memref_slice %arg4[%mul3A_24] : memref<320000xi32, #tpu.memory_space<hbm>> -> memref<128xi32, #tpu.memory_space<hbm>>
    tpu.enqueue_dma source(%dma_start3A_26 : memref<128xi32, #tpu.memory_space<hbm>>) target(%arg11 : memref<128xi32, #tpu.memory_space<vmem>>) target_semaphore(%arg18 : memref<!tpu.dma_semaphore, #tpu.memory_space<semaphore_mem>>)
    %add3A_27 = arith.constant 2 : i32
    %add3A_28 = arith.addi %mul3A_4, %add3A_27 : i32
    %mul3A_29 = arith.constant 128 : i32
    %mul3A_30 = arith.muli %add3A_28, %mul3A_29 : i32
    %dma_start3A_31 = tpu.memref_slice %arg3[%mul3A_30] : memref<320000xi32, #tpu.memory_space<hbm>> -> memref<128xi32, #tpu.memory_space<hbm>>
    %dma_start3A_32 = tpu.memref_slice %arg3[%mul3A_30] : memref<320000xi32, #tpu.memory_space<hbm>> -> memref<128xi32, #tpu.memory_space<hbm>>
    tpu.enqueue_dma source(%dma_start3A_32 : memref<128xi32, #tpu.memory_space<hbm>>) target(%arg9 : memref<128xi32, #tpu.memory_space<vmem>>) target_semaphore(%arg19 : memref<!tpu.dma_semaphore, #tpu.memory_space<semaphore_mem>>)
    %add3A_33 = arith.constant 2 : i32
    %add3A_34 = arith.addi %mul3A_4, %add3A_33 : i32
    %mul3A_35 = arith.constant 128 : i32
    %mul3A_36 = arith.muli %add3A_34, %mul3A_35 : i32
    %dma_start3A_37 = tpu.memref_slice %arg4[%mul3A_36] : memref<320000xi32, #tpu.memory_space<hbm>> -> memref<128xi32, #tpu.memory_space<hbm>>
    %dma_start3A_38 = tpu.memref_slice %arg4[%mul3A_36] : memref<320000xi32, #tpu.memory_space<hbm>> -> memref<128xi32, #tpu.memory_space<hbm>>
    tpu.enqueue_dma source(%dma_start3A_38 : memref<128xi32, #tpu.memory_space<hbm>>) target(%arg12 : memref<128xi32, #tpu.memory_space<vmem>>) target_semaphore(%arg19 : memref<!tpu.dma_semaphore, #tpu.memory_space<semaphore_mem>>)
    %barrier3A = arith.constant 0 : index
    tpu.barrier barrier_id(%barrier3A)
    %scan3A = arith.constant 0 : i32
    %scan3A_39 = arith.constant 0 : i32
    %scan3A_40 = arith.constant 78 : i32
    %scan3A_41 = arith.addi %scan3A_39, %scan3A_40 : i32
    %scan3A_42 = arith.constant 1 : i32
    scf.for %scan3A_49 = %scan3A_39 to %scan3A_41 step %scan3A_42  : i32 {
      %jit3A = arith.constant 3 : i32
      %eq3A = arith.constant 0 : i32
      %eq3A_50 = arith.cmpi eq, %jit3A, %eq3A : i32
      %jit3A_51 = arith.constant 1 : i32
      %select_n3A = arith.select %eq3A_50, %jit3A_51, %jit3A : i32
      %rem3A = arith.remsi %scan3A_49, %select_n3A : i32
      %ne3A = arith.constant 0 : i32
      %ne3A_52 = arith.cmpi ne, %rem3A, %ne3A : i32
      %lt3A_53 = arith.constant 0 : i32
      %lt3A_54 = arith.cmpi slt, %rem3A, %lt3A_53 : i32
      %lt3A_55 = arith.constant 0 : i32
      %lt3A_56 = arith.cmpi slt, %select_n3A, %lt3A_55 : i32
      %ne3A_57 = arith.xori %lt3A_54, %lt3A_56 : i1
      %and3A = arith.andi %ne3A_57, %ne3A_52 : i1
      %add3A_58 = arith.addi %rem3A, %select_n3A : i32
      %select_n3A_59 = arith.select %and3A, %add3A_58, %rem3A : i32
      %eq3A_60 = arith.constant 0 : i32
      %eq3A_61 = arith.cmpi eq, %select_n3A_59, %eq3A_60 : i32
      %convert_element_type3A_62 = arith.extui %eq3A_61 : i1 to i32
      %cond3A_63 = arith.constant 0 : i32
      %cond3A_64 = arith.cmpi ne, %convert_element_type3A_62, %cond3A_63 : i32
      scf.if %cond3A_64 {
        %add3A_75 = arith.constant 1 : i32
        %add3A_76 = arith.addi %scan3A_49, %add3A_75 : i32
        %lt3A_77 = arith.constant 78 : i32
        %lt3A_78 = arith.cmpi slt, %add3A_76, %lt3A_77 : i32
        %convert_element_type3A_79 = arith.extui %lt3A_78 : i1 to i32
        %cond3A_80 = arith.constant 0 : i32
        %cond3A_81 = arith.cmpi ne, %convert_element_type3A_79, %cond3A_80 : i32
        scf.if %cond3A_81 {
          %add3A_102 = arith.constant 1 : i32
          %add3A_103 = arith.addi %scan3A_49, %add3A_102 : i32
          %add3A_104 = arith.addi %mul3A_4, %add3A_103 : i32
          %mul3A_105 = arith.constant 128 : i32
          %mul3A_106 = arith.muli %add3A_104, %mul3A_105 : i32
          %dma_wait3A_107 = tpu.memref_slice %arg3[%mul3A_106] : memref<320000xi32, #tpu.memory_space<hbm>> -> memref<128xi32, #tpu.memory_space<hbm>>
          %dma_wait3A_108 = tpu.memref_slice %arg3[%mul3A_106] : memref<320000xi32, #tpu.memory_space<hbm>> -> memref<128xi32, #tpu.memory_space<hbm>>
          tpu.wait_dma2 semaphore(%arg18 : memref<!tpu.dma_semaphore, #tpu.memory_space<semaphore_mem>>) src(%dma_wait3A_108 : memref<128xi32, #tpu.memory_space<hbm>>) dst(%arg8 : memref<128xi32, #tpu.memory_space<vmem>>)
          %add3A_109 = arith.constant 1 : i32
          %add3A_110 = arith.addi %scan3A_49, %add3A_109 : i32
          %add3A_111 = arith.addi %mul3A_4, %add3A_110 : i32
          %mul3A_112 = arith.constant 128 : i32
          %mul3A_113 = arith.muli %add3A_111, %mul3A_112 : i32
          %dma_wait3A_114 = tpu.memref_slice %arg4[%mul3A_113] : memref<320000xi32, #tpu.memory_space<hbm>> -> memref<128xi32, #tpu.memory_space<hbm>>
          %dma_wait3A_115 = tpu.memref_slice %arg4[%mul3A_113] : memref<320000xi32, #tpu.memory_space<hbm>> -> memref<128xi32, #tpu.memory_space<hbm>>
          tpu.wait_dma2 semaphore(%arg18 : memref<!tpu.dma_semaphore, #tpu.memory_space<semaphore_mem>>) src(%dma_wait3A_115 : memref<128xi32, #tpu.memory_space<hbm>>) dst(%arg11 : memref<128xi32, #tpu.memory_space<vmem>>)
          %dma_start3A_116 = arith.constant 0 : i32
          %dma_start3A_117 = arith.constant 0 : i32
          %dma_start3A_118 = tpu.memref_slice %arg2[%dma_start3A_116, %dma_start3A_117] : memref<10000x128xf32, #tpu.memory_space<hbm>> -> memref<10000x128xf32, #tpu.memory_space<hbm>>
          tpu.enqueue_indirect_dma source(%dma_start3A_118 : memref<10000x128xf32, #tpu.memory_space<hbm>>) target(%arg14 : memref<128x128xf32, #tpu.memory_space<vmem>>) offsets(%arg8 : memref<128xi32, #tpu.memory_space<vmem>>) semaphore(%arg21 : memref<!tpu.dma_semaphore, #tpu.memory_space<semaphore_mem>>)
        } else {
        }
        %ge3A = arith.constant 1 : i32
        %ge3A_82 = arith.cmpi sge, %scan3A_49, %ge3A : i32
        %convert_element_type3A_83 = arith.extui %ge3A_82 : i1 to i32
        %cond3A_84 = arith.constant 0 : i32
        %cond3A_85 = arith.cmpi ne, %convert_element_type3A_83, %cond3A_84 : i32
        scf.if %cond3A_85 {
          %dma_wait3A_102 = arith.constant 0 : i32
          %dma_wait3A_103 = arith.constant 0 : i32
          %dma_wait3A_104 = tpu.memref_slice %arg16[%dma_wait3A_102, %dma_wait3A_103] : memref<10112x128xf32, #tpu.memory_space<vmem_shared>> -> memref<10112x128xf32, #tpu.memory_space<vmem_shared>>
          tpu.wait_indirect_dma semaphore(%arg25 : memref<!tpu.dma_semaphore, #tpu.memory_space<semaphore_mem>>) src(%arg15 : memref<128x128xf32, #tpu.memory_space<vmem>>) dst(%dma_wait3A_104 : memref<10112x128xf32, #tpu.memory_space<vmem_shared>>)
        } else {
        }
        %dma_wait3A_86 = arith.constant 0 : i32
        %dma_wait3A_87 = arith.constant 0 : i32
        %dma_wait3A_88 = tpu.memref_slice %arg2[%dma_wait3A_86, %dma_wait3A_87] : memref<10000x128xf32, #tpu.memory_space<hbm>> -> memref<10000x128xf32, #tpu.memory_space<hbm>>
        tpu.wait_indirect_dma semaphore(%arg20 : memref<!tpu.dma_semaphore, #tpu.memory_space<semaphore_mem>>) src(%dma_wait3A_88 : memref<10000x128xf32, #tpu.memory_space<hbm>>) dst(%arg13 : memref<128x128xf32, #tpu.memory_space<vmem>>)
        %dma_start3A_89 = arith.constant 0 : i32
        %dma_start3A_90 = arith.constant 0 : i32
        %dma_start3A_91 = tpu.memref_slice %arg16[%dma_start3A_89, %dma_start3A_90] : memref<10112x128xf32, #tpu.memory_space<vmem_shared>> -> memref<10112x128xf32, #tpu.memory_space<vmem_shared>>
        tpu.enqueue_indirect_dma source(%arg13 : memref<128x128xf32, #tpu.memory_space<vmem>>) target(%dma_start3A_91 : memref<10112x128xf32, #tpu.memory_space<vmem_shared>>) offsets(%arg10 : memref<128xi32, #tpu.memory_space<vmem>>) semaphore(%arg23 : memref<!tpu.dma_semaphore, #tpu.memory_space<semaphore_mem>>) {add = true}
        %ge3A_92 = arith.constant 1 : i32
        %ge3A_93 = arith.cmpi sge, %scan3A_49, %ge3A_92 : i32
        %add3A_94 = arith.constant 2 : i32
        %add3A_95 = arith.addi %scan3A_49, %add3A_94 : i32
        %lt3A_96 = arith.constant 78 : i32
        %lt3A_97 = arith.cmpi slt, %add3A_95, %lt3A_96 : i32
        %and3A_98 = arith.andi %ge3A_93, %lt3A_97 : i1
        %convert_element_type3A_99 = arith.extui %and3A_98 : i1 to i32
        %cond3A_100 = arith.constant 0 : i32
        %cond3A_101 = arith.cmpi ne, %convert_element_type3A_99, %cond3A_100 : i32
        scf.if %cond3A_101 {
          %add3A_102 = arith.constant 2 : i32
          %add3A_103 = arith.addi %scan3A_49, %add3A_102 : i32
          %add3A_104 = arith.addi %mul3A_4, %add3A_103 : i32
          %mul3A_105 = arith.constant 128 : i32
          %mul3A_106 = arith.muli %add3A_104, %mul3A_105 : i32
          %dma_start3A_107 = tpu.memref_slice %arg3[%mul3A_106] : memref<320000xi32, #tpu.memory_space<hbm>> -> memref<128xi32, #tpu.memory_space<hbm>>
          %dma_start3A_108 = tpu.memref_slice %arg3[%mul3A_106] : memref<320000xi32, #tpu.memory_space<hbm>> -> memref<128xi32, #tpu.memory_space<hbm>>
          tpu.enqueue_dma source(%dma_start3A_108 : memref<128xi32, #tpu.memory_space<hbm>>) target(%arg9 : memref<128xi32, #tpu.memory_space<vmem>>) target_semaphore(%arg19 : memref<!tpu.dma_semaphore, #tpu.memory_space<semaphore_mem>>)
          %add3A_109 = arith.constant 2 : i32
          %add3A_110 = arith.addi %scan3A_49, %add3A_109 : i32
          %add3A_111 = arith.addi %mul3A_4, %add3A_110 : i32
          %mul3A_112 = arith.constant 128 : i32
          %mul3A_113 = arith.muli %add3A_111, %mul3A_112 : i32
          %dma_start3A_114 = tpu.memref_slice %arg4[%mul3A_113] : memref<320000xi32, #tpu.memory_space<hbm>> -> memref<128xi32, #tpu.memory_space<hbm>>
          %dma_start3A_115 = tpu.memref_slice %arg4[%mul3A_113] : memref<320000xi32, #tpu.memory_space<hbm>> -> memref<128xi32, #tpu.memory_space<hbm>>
          tpu.enqueue_dma source(%dma_start3A_115 : memref<128xi32, #tpu.memory_space<hbm>>) target(%arg12 : memref<128xi32, #tpu.memory_space<vmem>>) target_semaphore(%arg19 : memref<!tpu.dma_semaphore, #tpu.memory_space<semaphore_mem>>)
        } else {
        }
      } else {
      }
      %eq3A_65 = arith.constant 1 : i32
      %eq3A_66 = arith.cmpi eq, %select_n3A_59, %eq3A_65 : i32
      %convert_element_type3A_67 = arith.extui %eq3A_66 : i1 to i32
      %cond3A_68 = arith.constant 0 : i32
      %cond3A_69 = arith.cmpi ne, %convert_element_type3A_67, %cond3A_68 : i32
      scf.if %cond3A_69 {
        %add3A_75 = arith.constant 1 : i32
        %add3A_76 = arith.addi %scan3A_49, %add3A_75 : i32
        %lt3A_77 = arith.constant 78 : i32
        %lt3A_78 = arith.cmpi slt, %add3A_76, %lt3A_77 : i32
        %convert_element_type3A_79 = arith.extui %lt3A_78 : i1 to i32
        %cond3A_80 = arith.constant 0 : i32
        %cond3A_81 = arith.cmpi ne, %convert_element_type3A_79, %cond3A_80 : i32
        scf.if %cond3A_81 {
          %add3A_102 = arith.constant 1 : i32
          %add3A_103 = arith.addi %scan3A_49, %add3A_102 : i32
          %add3A_104 = arith.addi %mul3A_4, %add3A_103 : i32
          %mul3A_105 = arith.constant 128 : i32
          %mul3A_106 = arith.muli %add3A_104, %mul3A_105 : i32
          %dma_wait3A_107 = tpu.memref_slice %arg3[%mul3A_106] : memref<320000xi32, #tpu.memory_space<hbm>> -> memref<128xi32, #tpu.memory_space<hbm>>
          %dma_wait3A_108 = tpu.memref_slice %arg3[%mul3A_106] : memref<320000xi32, #tpu.memory_space<hbm>> -> memref<128xi32, #tpu.memory_space<hbm>>
          tpu.wait_dma2 semaphore(%arg19 : memref<!tpu.dma_semaphore, #tpu.memory_space<semaphore_mem>>) src(%dma_wait3A_108 : memref<128xi32, #tpu.memory_space<hbm>>) dst(%arg9 : memref<128xi32, #tpu.memory_space<vmem>>)
          %add3A_109 = arith.constant 1 : i32
          %add3A_110 = arith.addi %scan3A_49, %add3A_109 : i32
          %add3A_111 = arith.addi %mul3A_4, %add3A_110 : i32
          %mul3A_112 = arith.constant 128 : i32
          %mul3A_113 = arith.muli %add3A_111, %mul3A_112 : i32
          %dma_wait3A_114 = tpu.memref_slice %arg4[%mul3A_113] : memref<320000xi32, #tpu.memory_space<hbm>> -> memref<128xi32, #tpu.memory_space<hbm>>
          %dma_wait3A_115 = tpu.memref_slice %arg4[%mul3A_113] : memref<320000xi32, #tpu.memory_space<hbm>> -> memref<128xi32, #tpu.memory_space<hbm>>
          tpu.wait_dma2 semaphore(%arg19 : memref<!tpu.dma_semaphore, #tpu.memory_space<semaphore_mem>>) src(%dma_wait3A_115 : memref<128xi32, #tpu.memory_space<hbm>>) dst(%arg12 : memref<128xi32, #tpu.memory_space<vmem>>)
          %dma_start3A_116 = arith.constant 0 : i32
          %dma_start3A_117 = arith.constant 0 : i32
          %dma_start3A_118 = tpu.memref_slice %arg2[%dma_start3A_116, %dma_start3A_117] : memref<10000x128xf32, #tpu.memory_space<hbm>> -> memref<10000x128xf32, #tpu.memory_space<hbm>>
          tpu.enqueue_indirect_dma source(%dma_start3A_118 : memref<10000x128xf32, #tpu.memory_space<hbm>>) target(%arg15 : memref<128x128xf32, #tpu.memory_space<vmem>>) offsets(%arg9 : memref<128xi32, #tpu.memory_space<vmem>>) semaphore(%arg22 : memref<!tpu.dma_semaphore, #tpu.memory_space<semaphore_mem>>)
        } else {
        }
        %ge3A = arith.constant 1 : i32
        %ge3A_82 = arith.cmpi sge, %scan3A_49, %ge3A : i32
        %convert_element_type3A_83 = arith.extui %ge3A_82 : i1 to i32
        %cond3A_84 = arith.constant 0 : i32
        %cond3A_85 = arith.cmpi ne, %convert_element_type3A_83, %cond3A_84 : i32
        scf.if %cond3A_85 {
          %dma_wait3A_102 = arith.constant 0 : i32
          %dma_wait3A_103 = arith.constant 0 : i32
          %dma_wait3A_104 = tpu.memref_slice %arg16[%dma_wait3A_102, %dma_wait3A_103] : memref<10112x128xf32, #tpu.memory_space<vmem_shared>> -> memref<10112x128xf32, #tpu.memory_space<vmem_shared>>
          tpu.wait_indirect_dma semaphore(%arg23 : memref<!tpu.dma_semaphore, #tpu.memory_space<semaphore_mem>>) src(%arg13 : memref<128x128xf32, #tpu.memory_space<vmem>>) dst(%dma_wait3A_104 : memref<10112x128xf32, #tpu.memory_space<vmem_shared>>)
        } else {
        }
        %dma_wait3A_86 = arith.constant 0 : i32
        %dma_wait3A_87 = arith.constant 0 : i32
        %dma_wait3A_88 = tpu.memref_slice %arg2[%dma_wait3A_86, %dma_wait3A_87] : memref<10000x128xf32, #tpu.memory_space<hbm>> -> memref<10000x128xf32, #tpu.memory_space<hbm>>
        tpu.wait_indirect_dma semaphore(%arg21 : memref<!tpu.dma_semaphore, #tpu.memory_space<semaphore_mem>>) src(%dma_wait3A_88 : memref<10000x128xf32, #tpu.memory_space<hbm>>) dst(%arg14 : memref<128x128xf32, #tpu.memory_space<vmem>>)
        %dma_start3A_89 = arith.constant 0 : i32
        %dma_start3A_90 = arith.constant 0 : i32
        %dma_start3A_91 = tpu.memref_slice %arg16[%dma_start3A_89, %dma_start3A_90] : memref<10112x128xf32, #tpu.memory_space<vmem_shared>> -> memref<10112x128xf32, #tpu.memory_space<vmem_shared>>
        tpu.enqueue_indirect_dma source(%arg14 : memref<128x128xf32, #tpu.memory_space<vmem>>) target(%dma_start3A_91 : memref<10112x128xf32, #tpu.memory_space<vmem_shared>>) offsets(%arg11 : memref<128xi32, #tpu.memory_space<vmem>>) semaphore(%arg24 : memref<!tpu.dma_semaphore, #tpu.memory_space<semaphore_mem>>) {add = true}
        %ge3A_92 = arith.constant 1 : i32
        %ge3A_93 = arith.cmpi sge, %scan3A_49, %ge3A_92 : i32
        %add3A_94 = arith.constant 2 : i32
        %add3A_95 = arith.addi %scan3A_49, %add3A_94 : i32
        %lt3A_96 = arith.constant 78 : i32
        %lt3A_97 = arith.cmpi slt, %add3A_95, %lt3A_96 : i32
        %and3A_98 = arith.andi %ge3A_93, %lt3A_97 : i1
        %convert_element_type3A_99 = arith.extui %and3A_98 : i1 to i32
        %cond3A_100 = arith.constant 0 : i32
        %cond3A_101 = arith.cmpi ne, %convert_element_type3A_99, %cond3A_100 : i32
        scf.if %cond3A_101 {
          %add3A_102 = arith.constant 2 : i32
          %add3A_103 = arith.addi %scan3A_49, %add3A_102 : i32
          %add3A_104 = arith.addi %mul3A_4, %add3A_103 : i32
          %mul3A_105 = arith.constant 128 : i32
          %mul3A_106 = arith.muli %add3A_104, %mul3A_105 : i32
          %dma_start3A_107 = tpu.memref_slice %arg3[%mul3A_106] : memref<320000xi32, #tpu.memory_space<hbm>> -> memref<128xi32, #tpu.memory_space<hbm>>
          %dma_start3A_108 = tpu.memref_slice %arg3[%mul3A_106] : memref<320000xi32, #tpu.memory_space<hbm>> -> memref<128xi32, #tpu.memory_space<hbm>>
          tpu.enqueue_dma source(%dma_start3A_108 : memref<128xi32, #tpu.memory_space<hbm>>) target(%arg7 : memref<128xi32, #tpu.memory_space<vmem>>) target_semaphore(%arg17 : memref<!tpu.dma_semaphore, #tpu.memory_space<semaphore_mem>>)
          %add3A_109 = arith.constant 2 : i32
          %add3A_110 = arith.addi %scan3A_49, %add3A_109 : i32
          %add3A_111 = arith.addi %mul3A_4, %add3A_110 : i32
          %mul3A_112 = arith.constant 128 : i32
          %mul3A_113 = arith.muli %add3A_111, %mul3A_112 : i32
          %dma_start3A_114 = tpu.memref_slice %arg4[%mul3A_113] : memref<320000xi32, #tpu.memory_space<hbm>> -> memref<128xi32, #tpu.memory_space<hbm>>
          %dma_start3A_115 = tpu.memref_slice %arg4[%mul3A_113] : memref<320000xi32, #tpu.memory_space<hbm>> -> memref<128xi32, #tpu.memory_space<hbm>>
          tpu.enqueue_dma source(%dma_start3A_115 : memref<128xi32, #tpu.memory_space<hbm>>) target(%arg10 : memref<128xi32, #tpu.memory_space<vmem>>) target_semaphore(%arg17 : memref<!tpu.dma_semaphore, #tpu.memory_space<semaphore_mem>>)
        } else {
        }
      } else {
      }
      %eq3A_70 = arith.constant 2 : i32
      %eq3A_71 = arith.cmpi eq, %select_n3A_59, %eq3A_70 : i32
      %convert_element_type3A_72 = arith.extui %eq3A_71 : i1 to i32
      %cond3A_73 = arith.constant 0 : i32
      %cond3A_74 = arith.cmpi ne, %convert_element_type3A_72, %cond3A_73 : i32
      scf.if %cond3A_74 {
        %add3A_75 = arith.constant 1 : i32
        %add3A_76 = arith.addi %scan3A_49, %add3A_75 : i32
        %lt3A_77 = arith.constant 78 : i32
        %lt3A_78 = arith.cmpi slt, %add3A_76, %lt3A_77 : i32
        %convert_element_type3A_79 = arith.extui %lt3A_78 : i1 to i32
        %cond3A_80 = arith.constant 0 : i32
        %cond3A_81 = arith.cmpi ne, %convert_element_type3A_79, %cond3A_80 : i32
        scf.if %cond3A_81 {
          %add3A_102 = arith.constant 1 : i32
          %add3A_103 = arith.addi %scan3A_49, %add3A_102 : i32
          %add3A_104 = arith.addi %mul3A_4, %add3A_103 : i32
          %mul3A_105 = arith.constant 128 : i32
          %mul3A_106 = arith.muli %add3A_104, %mul3A_105 : i32
          %dma_wait3A_107 = tpu.memref_slice %arg3[%mul3A_106] : memref<320000xi32, #tpu.memory_space<hbm>> -> memref<128xi32, #tpu.memory_space<hbm>>
          %dma_wait3A_108 = tpu.memref_slice %arg3[%mul3A_106] : memref<320000xi32, #tpu.memory_space<hbm>> -> memref<128xi32, #tpu.memory_space<hbm>>
          tpu.wait_dma2 semaphore(%arg17 : memref<!tpu.dma_semaphore, #tpu.memory_space<semaphore_mem>>) src(%dma_wait3A_108 : memref<128xi32, #tpu.memory_space<hbm>>) dst(%arg7 : memref<128xi32, #tpu.memory_space<vmem>>)
          %add3A_109 = arith.constant 1 : i32
          %add3A_110 = arith.addi %scan3A_49, %add3A_109 : i32
          %add3A_111 = arith.addi %mul3A_4, %add3A_110 : i32
          %mul3A_112 = arith.constant 128 : i32
          %mul3A_113 = arith.muli %add3A_111, %mul3A_112 : i32
          %dma_wait3A_114 = tpu.memref_slice %arg4[%mul3A_113] : memref<320000xi32, #tpu.memory_space<hbm>> -> memref<128xi32, #tpu.memory_space<hbm>>
          %dma_wait3A_115 = tpu.memref_slice %arg4[%mul3A_113] : memref<320000xi32, #tpu.memory_space<hbm>> -> memref<128xi32, #tpu.memory_space<hbm>>
          tpu.wait_dma2 semaphore(%arg17 : memref<!tpu.dma_semaphore, #tpu.memory_space<semaphore_mem>>) src(%dma_wait3A_115 : memref<128xi32, #tpu.memory_space<hbm>>) dst(%arg10 : memref<128xi32, #tpu.memory_space<vmem>>)
          %dma_start3A_116 = arith.constant 0 : i32
          %dma_start3A_117 = arith.constant 0 : i32
          %dma_start3A_118 = tpu.memref_slice %arg2[%dma_start3A_116, %dma_start3A_117] : memref<10000x128xf32, #tpu.memory_space<hbm>> -> memref<10000x128xf32, #tpu.memory_space<hbm>>
          tpu.enqueue_indirect_dma source(%dma_start3A_118 : memref<10000x128xf32, #tpu.memory_space<hbm>>) target(%arg13 : memref<128x128xf32, #tpu.memory_space<vmem>>) offsets(%arg7 : memref<128xi32, #tpu.memory_space<vmem>>) semaphore(%arg20 : memref<!tpu.dma_semaphore, #tpu.memory_space<semaphore_mem>>)
        } else {
        }
        %ge3A = arith.constant 1 : i32
        %ge3A_82 = arith.cmpi sge, %scan3A_49, %ge3A : i32
        %convert_element_type3A_83 = arith.extui %ge3A_82 : i1 to i32
        %cond3A_84 = arith.constant 0 : i32
        %cond3A_85 = arith.cmpi ne, %convert_element_type3A_83, %cond3A_84 : i32
        scf.if %cond3A_85 {
          %dma_wait3A_102 = arith.constant 0 : i32
          %dma_wait3A_103 = arith.constant 0 : i32
          %dma_wait3A_104 = tpu.memref_slice %arg16[%dma_wait3A_102, %dma_wait3A_103] : memref<10112x128xf32, #tpu.memory_space<vmem_shared>> -> memref<10112x128xf32, #tpu.memory_space<vmem_shared>>
          tpu.wait_indirect_dma semaphore(%arg24 : memref<!tpu.dma_semaphore, #tpu.memory_space<semaphore_mem>>) src(%arg14 : memref<128x128xf32, #tpu.memory_space<vmem>>) dst(%dma_wait3A_104 : memref<10112x128xf32, #tpu.memory_space<vmem_shared>>)
        } else {
        }
        %dma_wait3A_86 = arith.constant 0 : i32
        %dma_wait3A_87 = arith.constant 0 : i32
        %dma_wait3A_88 = tpu.memref_slice %arg2[%dma_wait3A_86, %dma_wait3A_87] : memref<10000x128xf32, #tpu.memory_space<hbm>> -> memref<10000x128xf32, #tpu.memory_space<hbm>>
        tpu.wait_indirect_dma semaphore(%arg22 : memref<!tpu.dma_semaphore, #tpu.memory_space<semaphore_mem>>) src(%dma_wait3A_88 : memref<10000x128xf32, #tpu.memory_space<hbm>>) dst(%arg15 : memref<128x128xf32, #tpu.memory_space<vmem>>)
        %dma_start3A_89 = arith.constant 0 : i32
        %dma_start3A_90 = arith.constant 0 : i32
        %dma_start3A_91 = tpu.memref_slice %arg16[%dma_start3A_89, %dma_start3A_90] : memref<10112x128xf32, #tpu.memory_space<vmem_shared>> -> memref<10112x128xf32, #tpu.memory_space<vmem_shared>>
        tpu.enqueue_indirect_dma source(%arg15 : memref<128x128xf32, #tpu.memory_space<vmem>>) target(%dma_start3A_91 : memref<10112x128xf32, #tpu.memory_space<vmem_shared>>) offsets(%arg12 : memref<128xi32, #tpu.memory_space<vmem>>) semaphore(%arg25 : memref<!tpu.dma_semaphore, #tpu.memory_space<semaphore_mem>>) {add = true}
        %ge3A_92 = arith.constant 1 : i32
        %ge3A_93 = arith.cmpi sge, %scan3A_49, %ge3A_92 : i32
        %add3A_94 = arith.constant 2 : i32
        %add3A_95 = arith.addi %scan3A_49, %add3A_94 : i32
        %lt3A_96 = arith.constant 78 : i32
        %lt3A_97 = arith.cmpi slt, %add3A_95, %lt3A_96 : i32
        %and3A_98 = arith.andi %ge3A_93, %lt3A_97 : i1
        %convert_element_type3A_99 = arith.extui %and3A_98 : i1 to i32
        %cond3A_100 = arith.constant 0 : i32
        %cond3A_101 = arith.cmpi ne, %convert_element_type3A_99, %cond3A_100 : i32
        scf.if %cond3A_101 {
          %add3A_102 = arith.constant 2 : i32
          %add3A_103 = arith.addi %scan3A_49, %add3A_102 : i32
          %add3A_104 = arith.addi %mul3A_4, %add3A_103 : i32
          %mul3A_105 = arith.constant 128 : i32
          %mul3A_106 = arith.muli %add3A_104, %mul3A_105 : i32
          %dma_start3A_107 = tpu.memref_slice %arg3[%mul3A_106] : memref<320000xi32, #tpu.memory_space<hbm>> -> memref<128xi32, #tpu.memory_space<hbm>>
          %dma_start3A_108 = tpu.memref_slice %arg3[%mul3A_106] : memref<320000xi32, #tpu.memory_space<hbm>> -> memref<128xi32, #tpu.memory_space<hbm>>
          tpu.enqueue_dma source(%dma_start3A_108 : memref<128xi32, #tpu.memory_space<hbm>>) target(%arg8 : memref<128xi32, #tpu.memory_space<vmem>>) target_semaphore(%arg18 : memref<!tpu.dma_semaphore, #tpu.memory_space<semaphore_mem>>)
          %add3A_109 = arith.constant 2 : i32
          %add3A_110 = arith.addi %scan3A_49, %add3A_109 : i32
          %add3A_111 = arith.addi %mul3A_4, %add3A_110 : i32
          %mul3A_112 = arith.constant 128 : i32
          %mul3A_113 = arith.muli %add3A_111, %mul3A_112 : i32
          %dma_start3A_114 = tpu.memref_slice %arg4[%mul3A_113] : memref<320000xi32, #tpu.memory_space<hbm>> -> memref<128xi32, #tpu.memory_space<hbm>>
          %dma_start3A_115 = tpu.memref_slice %arg4[%mul3A_113] : memref<320000xi32, #tpu.memory_space<hbm>> -> memref<128xi32, #tpu.memory_space<hbm>>
          tpu.enqueue_dma source(%dma_start3A_115 : memref<128xi32, #tpu.memory_space<hbm>>) target(%arg11 : memref<128xi32, #tpu.memory_space<vmem>>) target_semaphore(%arg18 : memref<!tpu.dma_semaphore, #tpu.memory_space<semaphore_mem>>)
        } else {
        }
      } else {
      }
    }
    %scan3A_43 = arith.constant 78 : i32
    %dma_wait3A = arith.constant 0 : i32
    %dma_wait3A_44 = arith.constant 0 : i32
    %dma_wait3A_45 = tpu.memref_slice %arg16[%dma_wait3A, %dma_wait3A_44] : memref<10112x128xf32, #tpu.memory_space<vmem_shared>> -> memref<10112x128xf32, #tpu.memory_space<vmem_shared>>
    tpu.wait_indirect_dma semaphore(%arg25 : memref<!tpu.dma_semaphore, #tpu.memory_space<semaphore_mem>>) src(%arg15 : memref<128x128xf32, #tpu.memory_space<vmem>>) dst(%dma_wait3A_45 : memref<10112x128xf32, #tpu.memory_space<vmem_shared>>)
    %lt3A = arith.constant 4 : i32
    %lt3A_46 = arith.cmpi slt, %add3A, %lt3A : i32
    %convert_element_type3A = arith.extui %lt3A_46 : i1 to i32
    %cond3A = arith.constant 0 : i32
    %cond3A_47 = arith.cmpi ne, %convert_element_type3A, %cond3A : i32
    scf.if %cond3A_47 {
      %add3A_49 = arith.constant 2496 : i32
      %add3A_50 = arith.addi %add3A_49, %add3A : i32
      %mul3A_51 = arith.constant 128 : i32
      %mul3A_52 = arith.muli %add3A_50, %mul3A_51 : i32
      "tpu.region"() ({
        %run_scoped3A = tpu.sem_alloc : memref<!tpu.dma_semaphore, #tpu.memory_space<semaphore_mem>>
        %dma_start3A_59 = tpu.memref_slice %arg3[%mul3A_52] : memref<320000xi32, #tpu.memory_space<hbm>> -> memref<128xi32, #tpu.memory_space<hbm>>
        %dma_start3A_60 = tpu.memref_slice %arg3[%mul3A_52] : memref<320000xi32, #tpu.memory_space<hbm>> -> memref<128xi32, #tpu.memory_space<hbm>>
        tpu.enqueue_dma source(%dma_start3A_60 : memref<128xi32, #tpu.memory_space<hbm>>) target(%arg7 : memref<128xi32, #tpu.memory_space<vmem>>) target_semaphore(%run_scoped3A : memref<!tpu.dma_semaphore, #tpu.memory_space<semaphore_mem>>)
        %dma_wait3A_61 = tpu.memref_slice %arg3[%mul3A_52] : memref<320000xi32, #tpu.memory_space<hbm>> -> memref<128xi32, #tpu.memory_space<hbm>>
        %dma_wait3A_62 = tpu.memref_slice %arg3[%mul3A_52] : memref<320000xi32, #tpu.memory_space<hbm>> -> memref<128xi32, #tpu.memory_space<hbm>>
        tpu.wait_dma2 semaphore(%run_scoped3A : memref<!tpu.dma_semaphore, #tpu.memory_space<semaphore_mem>>) src(%dma_wait3A_62 : memref<128xi32, #tpu.memory_space<hbm>>) dst(%arg7 : memref<128xi32, #tpu.memory_space<vmem>>)
        tpu.yield
      }) : () -> ()
      "tpu.region"() ({
        %run_scoped3A = tpu.sem_alloc : memref<!tpu.dma_semaphore, #tpu.memory_space<semaphore_mem>>
        %dma_start3A_59 = tpu.memref_slice %arg4[%mul3A_52] : memref<320000xi32, #tpu.memory_space<hbm>> -> memref<128xi32, #tpu.memory_space<hbm>>
        %dma_start3A_60 = tpu.memref_slice %arg4[%mul3A_52] : memref<320000xi32, #tpu.memory_space<hbm>> -> memref<128xi32, #tpu.memory_space<hbm>>
        tpu.enqueue_dma source(%dma_start3A_60 : memref<128xi32, #tpu.memory_space<hbm>>) target(%arg10 : memref<128xi32, #tpu.memory_space<vmem>>) target_semaphore(%run_scoped3A : memref<!tpu.dma_semaphore, #tpu.memory_space<semaphore_mem>>)
        %dma_wait3A_61 = tpu.memref_slice %arg4[%mul3A_52] : memref<320000xi32, #tpu.memory_space<hbm>> -> memref<128xi32, #tpu.memory_space<hbm>>
        %dma_wait3A_62 = tpu.memref_slice %arg4[%mul3A_52] : memref<320000xi32, #tpu.memory_space<hbm>> -> memref<128xi32, #tpu.memory_space<hbm>>
        tpu.wait_dma2 semaphore(%run_scoped3A : memref<!tpu.dma_semaphore, #tpu.memory_space<semaphore_mem>>) src(%dma_wait3A_62 : memref<128xi32, #tpu.memory_space<hbm>>) dst(%arg10 : memref<128xi32, #tpu.memory_space<vmem>>)
        tpu.yield
      }) : () -> ()
      %dma_start3A_53 = arith.constant 0 : i32
      %dma_start3A_54 = arith.constant 0 : i32
      %dma_start3A_55 = tpu.memref_slice %arg2[%dma_start3A_53, %dma_start3A_54] : memref<10000x128xf32, #tpu.memory_space<hbm>> -> memref<10000x128xf32, #tpu.memory_space<hbm>>
      tpu.enqueue_indirect_dma source(%dma_start3A_55 : memref<10000x128xf32, #tpu.memory_space<hbm>>) target(%arg13 : memref<128x128xf32, #tpu.memory_space<vmem>>) offsets(%arg7 : memref<128xi32, #tpu.memory_space<vmem>>) semaphore(%arg20 : memref<!tpu.dma_semaphore, #tpu.memory_space<semaphore_mem>>)
      %dma_wait3A_56 = arith.constant 0 : i32
      %dma_wait3A_57 = arith.constant 0 : i32
      %dma_wait3A_58 = tpu.memref_slice %arg2[%dma_wait3A_56, %dma_wait3A_57] : memref<10000x128xf32, #tpu.memory_space<hbm>> -> memref<10000x128xf32, #tpu.memory_space<hbm>>
      tpu.wait_indirect_dma semaphore(%arg20 : memref<!tpu.dma_semaphore, #tpu.memory_space<semaphore_mem>>) src(%dma_wait3A_58 : memref<10000x128xf32, #tpu.memory_space<hbm>>) dst(%arg13 : memref<128x128xf32, #tpu.memory_space<vmem>>)
      "tpu.region"() ({
        %run_scoped3A = tpu.sem_alloc : memref<!tpu.dma_semaphore, #tpu.memory_space<semaphore_mem>>
        %dma_start3A_59 = arith.constant 0 : i32
        %dma_start3A_60 = arith.constant 0 : i32
        %dma_start3A_61 = tpu.memref_slice %arg16[%dma_start3A_59, %dma_start3A_60] : memref<10112x128xf32, #tpu.memory_space<vmem_shared>> -> memref<10112x128xf32, #tpu.memory_space<vmem_shared>>
        tpu.enqueue_indirect_dma source(%arg13 : memref<128x128xf32, #tpu.memory_space<vmem>>) target(%dma_start3A_61 : memref<10112x128xf32, #tpu.memory_space<vmem_shared>>) offsets(%arg10 : memref<128xi32, #tpu.memory_space<vmem>>) semaphore(%run_scoped3A : memref<!tpu.dma_semaphore, #tpu.memory_space<semaphore_mem>>) {add = true}
        %dma_wait3A_62 = arith.constant 0 : i32
        %dma_wait3A_63 = arith.constant 0 : i32
        %dma_wait3A_64 = tpu.memref_slice %arg16[%dma_wait3A_62, %dma_wait3A_63] : memref<10112x128xf32, #tpu.memory_space<vmem_shared>> -> memref<10112x128xf32, #tpu.memory_space<vmem_shared>>
        tpu.wait_indirect_dma semaphore(%run_scoped3A : memref<!tpu.dma_semaphore, #tpu.memory_space<semaphore_mem>>) src(%arg13 : memref<128x128xf32, #tpu.memory_space<vmem>>) dst(%dma_wait3A_64 : memref<10112x128xf32, #tpu.memory_space<vmem_shared>>)
        tpu.yield
      }) : () -> ()
    } else {
    }
    %barrier3A_48 = arith.constant 0 : index
    tpu.barrier barrier_id(%barrier3A_48)
    "tpu.region"() ({
      %run_scoped3A = tpu.sem_alloc : memref<!tpu.dma_semaphore, #tpu.memory_space<semaphore_mem>>
      %dma_start3A_49 = arith.constant 0 : i32
      %dma_start3A_50 = tpu.memref_slice %arg6[%arg0, %mul3A_2, %dma_start3A_49] : memref<2x10112x128xf32, #tpu.memory_space<hbm>> -> memref<1x632x128xf32, #tpu.memory_space<hbm>>
      %dma_start3A_51 = tpu.memref_squeeze %dma_start3A_50 : memref<1x632x128xf32, #tpu.memory_space<hbm>> -> memref<632x128xf32, #tpu.memory_space<hbm>>
      %dma_start3A_52 = arith.constant 0 : i32
      %dma_start3A_53 = tpu.memref_slice %arg16[%mul3A_2, %dma_start3A_52] : memref<10112x128xf32, #tpu.memory_space<vmem_shared>> -> memref<632x128xf32, #tpu.memory_space<vmem_shared>>
      tpu.enqueue_dma source(%dma_start3A_53 : memref<632x128xf32, #tpu.memory_space<vmem_shared>>) target(%dma_start3A_51 : memref<632x128xf32, #tpu.memory_space<hbm>>) target_semaphore(%run_scoped3A : memref<!tpu.dma_semaphore, #tpu.memory_space<semaphore_mem>>)
      %dma_wait3A_54 = arith.constant 0 : i32
      %dma_wait3A_55 = tpu.memref_slice %arg6[%arg0, %mul3A_2, %dma_wait3A_54] : memref<2x10112x128xf32, #tpu.memory_space<hbm>> -> memref<1x632x128xf32, #tpu.memory_space<hbm>>
      %dma_wait3A_56 = tpu.memref_squeeze %dma_wait3A_55 : memref<1x632x128xf32, #tpu.memory_space<hbm>> -> memref<632x128xf32, #tpu.memory_space<hbm>>
      %dma_wait3A_57 = arith.constant 0 : i32
      %dma_wait3A_58 = tpu.memref_slice %arg16[%mul3A_2, %dma_wait3A_57] : memref<10112x128xf32, #tpu.memory_space<vmem_shared>> -> memref<632x128xf32, #tpu.memory_space<vmem_shared>>
      tpu.wait_dma2 semaphore(%run_scoped3A : memref<!tpu.dma_semaphore, #tpu.memory_space<semaphore_mem>>) src(%dma_wait3A_58 : memref<632x128xf32, #tpu.memory_space<vmem_shared>>) dst(%dma_wait3A_56 : memref<632x128xf32, #tpu.memory_space<hbm>>)
      tpu.yield
    }) : () -> ()
    return
  }
}

#map = affine_map<(d0, d1) -> (0)>
#map1 = affine_map<(d0, d1) -> (0, 0)>
#map2 = affine_map<(d0, d1) -> (0, 0, 0)>
module attributes {stable_mosaic.version = 14 : i64} {
  func.func @cnt_kernel(%arg0: i32, %arg1: i32, %arg2: memref<320000xi32, #tpu.memory_space<hbm>>, %arg3: memref<632x128xf32, #tpu.memory_space<hbm>>, %arg4: memref<128x128xf32, #tpu.memory_space<hbm>>, %arg5: memref<2x10112x128xf32, #tpu.memory_space<hbm>>, %arg6: memref<128xi32, #tpu.memory_space<vmem>>, %arg7: memref<128xi32, #tpu.memory_space<vmem>>, %arg8: memref<128xi32, #tpu.memory_space<vmem>>, %arg9: memref<128x128xf32, #tpu.memory_space<vmem>>, %arg10: memref<10112x128xf32, #tpu.memory_space<vmem_shared>>, %arg11: memref<!tpu.dma_semaphore, #tpu.memory_space<semaphore_mem>>, %arg12: memref<!tpu.dma_semaphore, #tpu.memory_space<semaphore_mem>>, %arg13: memref<!tpu.dma_semaphore, #tpu.memory_space<semaphore_mem>>, %arg14: memref<!tpu.dma_semaphore, #tpu.memory_space<semaphore_mem>>, %arg15: memref<!tpu.dma_semaphore, #tpu.memory_space<semaphore_mem>>, %arg16: memref<!tpu.dma_semaphore, #tpu.memory_space<semaphore_mem>>) attributes {dimension_semantics = [#tpu.dimension_semantics<core_parallel>, #tpu.dimension_semantics<subcore_parallel>], iteration_bounds = array<i64: 2, 16>, scalar_prefetch = 0 : i64, scratch_operands = 11 : i64, tpu.core_type = #tpu.core_type<sc_vector_subcore>, window_params = [{transform_indices = #map}, {transform_indices = #map1}, {transform_indices = #map1}, {transform_indices = #map2}]} {
    %mul3A = arith.constant 16 : i32
    %mul3A_0 = arith.muli %arg0, %mul3A : i32
    %add3A = arith.addi %mul3A_0, %arg1 : i32
    %mul3A_1 = arith.constant 632 : i32
    %mul3A_2 = arith.muli %arg1, %mul3A_1 : i32
    "tpu.region"() ({
      %run_scoped3A = tpu.sem_alloc : memref<!tpu.dma_semaphore, #tpu.memory_space<semaphore_mem>>
      %dma_start3A_30 = arith.constant 0 : i32
      %dma_start3A_31 = tpu.memref_slice %arg10[%mul3A_2, %dma_start3A_30] : memref<10112x128xf32, #tpu.memory_space<vmem_shared>> -> memref<632x128xf32, #tpu.memory_space<vmem_shared>>
      tpu.enqueue_dma source(%arg3 : memref<632x128xf32, #tpu.memory_space<hbm>>) target(%dma_start3A_31 : memref<632x128xf32, #tpu.memory_space<vmem_shared>>) target_semaphore(%run_scoped3A : memref<!tpu.dma_semaphore, #tpu.memory_space<semaphore_mem>>)
      %dma_wait3A_32 = arith.constant 0 : i32
      %dma_wait3A_33 = tpu.memref_slice %arg10[%mul3A_2, %dma_wait3A_32] : memref<10112x128xf32, #tpu.memory_space<vmem_shared>> -> memref<632x128xf32, #tpu.memory_space<vmem_shared>>
      tpu.wait_dma2 semaphore(%run_scoped3A : memref<!tpu.dma_semaphore, #tpu.memory_space<semaphore_mem>>) src(%arg3 : memref<632x128xf32, #tpu.memory_space<hbm>>) dst(%dma_wait3A_33 : memref<632x128xf32, #tpu.memory_space<vmem_shared>>)
      tpu.yield
    }) : () -> ()
    "tpu.region"() ({
      %run_scoped3A = tpu.sem_alloc : memref<!tpu.dma_semaphore, #tpu.memory_space<semaphore_mem>>
      tpu.enqueue_dma source(%arg4 : memref<128x128xf32, #tpu.memory_space<hbm>>) target(%arg9 : memref<128x128xf32, #tpu.memory_space<vmem>>) target_semaphore(%run_scoped3A : memref<!tpu.dma_semaphore, #tpu.memory_space<semaphore_mem>>)
      tpu.wait_dma2 semaphore(%run_scoped3A : memref<!tpu.dma_semaphore, #tpu.memory_space<semaphore_mem>>) src(%arg4 : memref<128x128xf32, #tpu.memory_space<hbm>>) dst(%arg9 : memref<128x128xf32, #tpu.memory_space<vmem>>)
      tpu.yield
    }) : () -> ()
    %mul3A_3 = arith.constant 78 : i32
    %mul3A_4 = arith.muli %add3A, %mul3A_3 : i32
    %add3A_5 = arith.constant 0 : i32
    %add3A_6 = arith.addi %mul3A_4, %add3A_5 : i32
    %mul3A_7 = arith.constant 128 : i32
    %mul3A_8 = arith.muli %add3A_6, %mul3A_7 : i32
    "tpu.region"() ({
      %run_scoped3A = tpu.sem_alloc : memref<!tpu.dma_semaphore, #tpu.memory_space<semaphore_mem>>
      %dma_start3A_30 = tpu.memref_slice %arg2[%mul3A_8] : memref<320000xi32, #tpu.memory_space<hbm>> -> memref<128xi32, #tpu.memory_space<hbm>>
      %dma_start3A_31 = tpu.memref_slice %arg2[%mul3A_8] : memref<320000xi32, #tpu.memory_space<hbm>> -> memref<128xi32, #tpu.memory_space<hbm>>
      tpu.enqueue_dma source(%dma_start3A_31 : memref<128xi32, #tpu.memory_space<hbm>>) target(%arg6 : memref<128xi32, #tpu.memory_space<vmem>>) target_semaphore(%run_scoped3A : memref<!tpu.dma_semaphore, #tpu.memory_space<semaphore_mem>>)
      %dma_wait3A_32 = tpu.memref_slice %arg2[%mul3A_8] : memref<320000xi32, #tpu.memory_space<hbm>> -> memref<128xi32, #tpu.memory_space<hbm>>
      %dma_wait3A_33 = tpu.memref_slice %arg2[%mul3A_8] : memref<320000xi32, #tpu.memory_space<hbm>> -> memref<128xi32, #tpu.memory_space<hbm>>
      tpu.wait_dma2 semaphore(%run_scoped3A : memref<!tpu.dma_semaphore, #tpu.memory_space<semaphore_mem>>) src(%dma_wait3A_33 : memref<128xi32, #tpu.memory_space<hbm>>) dst(%arg6 : memref<128xi32, #tpu.memory_space<vmem>>)
      tpu.yield
    }) : () -> ()
    %add3A_9 = arith.constant 1 : i32
    %add3A_10 = arith.addi %mul3A_4, %add3A_9 : i32
    %mul3A_11 = arith.constant 128 : i32
    %mul3A_12 = arith.muli %add3A_10, %mul3A_11 : i32
    %dma_start3A = tpu.memref_slice %arg2[%mul3A_12] : memref<320000xi32, #tpu.memory_space<hbm>> -> memref<128xi32, #tpu.memory_space<hbm>>
    %dma_start3A_13 = tpu.memref_slice %arg2[%mul3A_12] : memref<320000xi32, #tpu.memory_space<hbm>> -> memref<128xi32, #tpu.memory_space<hbm>>
    tpu.enqueue_dma source(%dma_start3A_13 : memref<128xi32, #tpu.memory_space<hbm>>) target(%arg7 : memref<128xi32, #tpu.memory_space<vmem>>) target_semaphore(%arg12 : memref<!tpu.dma_semaphore, #tpu.memory_space<semaphore_mem>>)
    %add3A_14 = arith.constant 2 : i32
    %add3A_15 = arith.addi %mul3A_4, %add3A_14 : i32
    %mul3A_16 = arith.constant 128 : i32
    %mul3A_17 = arith.muli %add3A_15, %mul3A_16 : i32
    %dma_start3A_18 = tpu.memref_slice %arg2[%mul3A_17] : memref<320000xi32, #tpu.memory_space<hbm>> -> memref<128xi32, #tpu.memory_space<hbm>>
    %dma_start3A_19 = tpu.memref_slice %arg2[%mul3A_17] : memref<320000xi32, #tpu.memory_space<hbm>> -> memref<128xi32, #tpu.memory_space<hbm>>
    tpu.enqueue_dma source(%dma_start3A_19 : memref<128xi32, #tpu.memory_space<hbm>>) target(%arg8 : memref<128xi32, #tpu.memory_space<vmem>>) target_semaphore(%arg13 : memref<!tpu.dma_semaphore, #tpu.memory_space<semaphore_mem>>)
    %barrier3A = arith.constant 0 : index
    tpu.barrier barrier_id(%barrier3A)
    %scan3A = arith.constant 0 : i32
    %scan3A_20 = arith.constant 0 : i32
    %scan3A_21 = arith.constant 78 : i32
    %scan3A_22 = arith.addi %scan3A_20, %scan3A_21 : i32
    %scan3A_23 = arith.constant 1 : i32
    scf.for %scan3A_30 = %scan3A_20 to %scan3A_22 step %scan3A_23  : i32 {
      %jit3A = arith.constant 3 : i32
      %eq3A = arith.constant 0 : i32
      %eq3A_31 = arith.cmpi eq, %jit3A, %eq3A : i32
      %jit3A_32 = arith.constant 1 : i32
      %select_n3A = arith.select %eq3A_31, %jit3A_32, %jit3A : i32
      %rem3A = arith.remsi %scan3A_30, %select_n3A : i32
      %ne3A = arith.constant 0 : i32
      %ne3A_33 = arith.cmpi ne, %rem3A, %ne3A : i32
      %lt3A_34 = arith.constant 0 : i32
      %lt3A_35 = arith.cmpi slt, %rem3A, %lt3A_34 : i32
      %lt3A_36 = arith.constant 0 : i32
      %lt3A_37 = arith.cmpi slt, %select_n3A, %lt3A_36 : i32
      %ne3A_38 = arith.xori %lt3A_35, %lt3A_37 : i1
      %and3A = arith.andi %ne3A_38, %ne3A_33 : i1
      %add3A_39 = arith.addi %rem3A, %select_n3A : i32
      %select_n3A_40 = arith.select %and3A, %add3A_39, %rem3A : i32
      %eq3A_41 = arith.constant 0 : i32
      %eq3A_42 = arith.cmpi eq, %select_n3A_40, %eq3A_41 : i32
      %convert_element_type3A_43 = arith.extui %eq3A_42 : i1 to i32
      %cond3A_44 = arith.constant 0 : i32
      %cond3A_45 = arith.cmpi ne, %convert_element_type3A_43, %cond3A_44 : i32
      scf.if %cond3A_45 {
        %ge3A = arith.constant 1 : i32
        %ge3A_56 = arith.cmpi sge, %scan3A_30, %ge3A : i32
        %convert_element_type3A_57 = arith.extui %ge3A_56 : i1 to i32
        %cond3A_58 = arith.constant 0 : i32
        %cond3A_59 = arith.cmpi ne, %convert_element_type3A_57, %cond3A_58 : i32
        scf.if %cond3A_59 {
          %dma_wait3A_78 = arith.constant 0 : i32
          %dma_wait3A_79 = arith.constant 0 : i32
          %dma_wait3A_80 = tpu.memref_slice %arg10[%dma_wait3A_78, %dma_wait3A_79] : memref<10112x128xf32, #tpu.memory_space<vmem_shared>> -> memref<10112x128xf32, #tpu.memory_space<vmem_shared>>
          tpu.wait_indirect_dma semaphore(%arg16 : memref<!tpu.dma_semaphore, #tpu.memory_space<semaphore_mem>>) src(%arg9 : memref<128x128xf32, #tpu.memory_space<vmem>>) dst(%dma_wait3A_80 : memref<10112x128xf32, #tpu.memory_space<vmem_shared>>)
        } else {
        }
        %ge3A_60 = arith.constant 1 : i32
        %ge3A_61 = arith.cmpi sge, %scan3A_30, %ge3A_60 : i32
        %convert_element_type3A_62 = arith.extui %ge3A_61 : i1 to i32
        %cond3A_63 = arith.constant 0 : i32
        %cond3A_64 = arith.cmpi ne, %convert_element_type3A_62, %cond3A_63 : i32
        scf.if %cond3A_64 {
          %add3A_78 = arith.addi %mul3A_4, %scan3A_30 : i32
          %mul3A_79 = arith.constant 128 : i32
          %mul3A_80 = arith.muli %add3A_78, %mul3A_79 : i32
          %dma_wait3A_81 = tpu.memref_slice %arg2[%mul3A_80] : memref<320000xi32, #tpu.memory_space<hbm>> -> memref<128xi32, #tpu.memory_space<hbm>>
          %dma_wait3A_82 = tpu.memref_slice %arg2[%mul3A_80] : memref<320000xi32, #tpu.memory_space<hbm>> -> memref<128xi32, #tpu.memory_space<hbm>>
          tpu.wait_dma2 semaphore(%arg11 : memref<!tpu.dma_semaphore, #tpu.memory_space<semaphore_mem>>) src(%dma_wait3A_82 : memref<128xi32, #tpu.memory_space<hbm>>) dst(%arg6 : memref<128xi32, #tpu.memory_space<vmem>>)
        } else {
        }
        %dma_start3A_65 = arith.constant 0 : i32
        %dma_start3A_66 = arith.constant 0 : i32
        %dma_start3A_67 = tpu.memref_slice %arg10[%dma_start3A_65, %dma_start3A_66] : memref<10112x128xf32, #tpu.memory_space<vmem_shared>> -> memref<10112x128xf32, #tpu.memory_space<vmem_shared>>
        tpu.enqueue_indirect_dma source(%arg9 : memref<128x128xf32, #tpu.memory_space<vmem>>) target(%dma_start3A_67 : memref<10112x128xf32, #tpu.memory_space<vmem_shared>>) offsets(%arg6 : memref<128xi32, #tpu.memory_space<vmem>>) semaphore(%arg14 : memref<!tpu.dma_semaphore, #tpu.memory_space<semaphore_mem>>) {add = true}
        %ge3A_68 = arith.constant 1 : i32
        %ge3A_69 = arith.cmpi sge, %scan3A_30, %ge3A_68 : i32
        %add3A_70 = arith.constant 2 : i32
        %add3A_71 = arith.addi %scan3A_30, %add3A_70 : i32
        %lt3A_72 = arith.constant 78 : i32
        %lt3A_73 = arith.cmpi slt, %add3A_71, %lt3A_72 : i32
        %and3A_74 = arith.andi %ge3A_69, %lt3A_73 : i1
        %convert_element_type3A_75 = arith.extui %and3A_74 : i1 to i32
        %cond3A_76 = arith.constant 0 : i32
        %cond3A_77 = arith.cmpi ne, %convert_element_type3A_75, %cond3A_76 : i32
        scf.if %cond3A_77 {
          %add3A_78 = arith.constant 2 : i32
          %add3A_79 = arith.addi %scan3A_30, %add3A_78 : i32
          %add3A_80 = arith.addi %mul3A_4, %add3A_79 : i32
          %mul3A_81 = arith.constant 128 : i32
          %mul3A_82 = arith.muli %add3A_80, %mul3A_81 : i32
          %dma_start3A_83 = tpu.memref_slice %arg2[%mul3A_82] : memref<320000xi32, #tpu.memory_space<hbm>> -> memref<128xi32, #tpu.memory_space<hbm>>
          %dma_start3A_84 = tpu.memref_slice %arg2[%mul3A_82] : memref<320000xi32, #tpu.memory_space<hbm>> -> memref<128xi32, #tpu.memory_space<hbm>>
          tpu.enqueue_dma source(%dma_start3A_84 : memref<128xi32, #tpu.memory_space<hbm>>) target(%arg8 : memref<128xi32, #tpu.memory_space<vmem>>) target_semaphore(%arg13 : memref<!tpu.dma_semaphore, #tpu.memory_space<semaphore_mem>>)
        } else {
        }
      } else {
      }
      %eq3A_46 = arith.constant 1 : i32
      %eq3A_47 = arith.cmpi eq, %select_n3A_40, %eq3A_46 : i32
      %convert_element_type3A_48 = arith.extui %eq3A_47 : i1 to i32
      %cond3A_49 = arith.constant 0 : i32
      %cond3A_50 = arith.cmpi ne, %convert_element_type3A_48, %cond3A_49 : i32
      scf.if %cond3A_50 {
        %ge3A = arith.constant 1 : i32
        %ge3A_56 = arith.cmpi sge, %scan3A_30, %ge3A : i32
        %convert_element_type3A_57 = arith.extui %ge3A_56 : i1 to i32
        %cond3A_58 = arith.constant 0 : i32
        %cond3A_59 = arith.cmpi ne, %convert_element_type3A_57, %cond3A_58 : i32
        scf.if %cond3A_59 {
          %dma_wait3A_78 = arith.constant 0 : i32
          %dma_wait3A_79 = arith.constant 0 : i32
          %dma_wait3A_80 = tpu.memref_slice %arg10[%dma_wait3A_78, %dma_wait3A_79] : memref<10112x128xf32, #tpu.memory_space<vmem_shared>> -> memref<10112x128xf32, #tpu.memory_space<vmem_shared>>
          tpu.wait_indirect_dma semaphore(%arg14 : memref<!tpu.dma_semaphore, #tpu.memory_space<semaphore_mem>>) src(%arg9 : memref<128x128xf32, #tpu.memory_space<vmem>>) dst(%dma_wait3A_80 : memref<10112x128xf32, #tpu.memory_space<vmem_shared>>)
        } else {
        }
        %ge3A_60 = arith.constant 1 : i32
        %ge3A_61 = arith.cmpi sge, %scan3A_30, %ge3A_60 : i32
        %convert_element_type3A_62 = arith.extui %ge3A_61 : i1 to i32
        %cond3A_63 = arith.constant 0 : i32
        %cond3A_64 = arith.cmpi ne, %convert_element_type3A_62, %cond3A_63 : i32
        scf.if %cond3A_64 {
          %add3A_78 = arith.addi %mul3A_4, %scan3A_30 : i32
          %mul3A_79 = arith.constant 128 : i32
          %mul3A_80 = arith.muli %add3A_78, %mul3A_79 : i32
          %dma_wait3A_81 = tpu.memref_slice %arg2[%mul3A_80] : memref<320000xi32, #tpu.memory_space<hbm>> -> memref<128xi32, #tpu.memory_space<hbm>>
          %dma_wait3A_82 = tpu.memref_slice %arg2[%mul3A_80] : memref<320000xi32, #tpu.memory_space<hbm>> -> memref<128xi32, #tpu.memory_space<hbm>>
          tpu.wait_dma2 semaphore(%arg12 : memref<!tpu.dma_semaphore, #tpu.memory_space<semaphore_mem>>) src(%dma_wait3A_82 : memref<128xi32, #tpu.memory_space<hbm>>) dst(%arg7 : memref<128xi32, #tpu.memory_space<vmem>>)
        } else {
        }
        %dma_start3A_65 = arith.constant 0 : i32
        %dma_start3A_66 = arith.constant 0 : i32
        %dma_start3A_67 = tpu.memref_slice %arg10[%dma_start3A_65, %dma_start3A_66] : memref<10112x128xf32, #tpu.memory_space<vmem_shared>> -> memref<10112x128xf32, #tpu.memory_space<vmem_shared>>
        tpu.enqueue_indirect_dma source(%arg9 : memref<128x128xf32, #tpu.memory_space<vmem>>) target(%dma_start3A_67 : memref<10112x128xf32, #tpu.memory_space<vmem_shared>>) offsets(%arg7 : memref<128xi32, #tpu.memory_space<vmem>>) semaphore(%arg15 : memref<!tpu.dma_semaphore, #tpu.memory_space<semaphore_mem>>) {add = true}
        %ge3A_68 = arith.constant 1 : i32
        %ge3A_69 = arith.cmpi sge, %scan3A_30, %ge3A_68 : i32
        %add3A_70 = arith.constant 2 : i32
        %add3A_71 = arith.addi %scan3A_30, %add3A_70 : i32
        %lt3A_72 = arith.constant 78 : i32
        %lt3A_73 = arith.cmpi slt, %add3A_71, %lt3A_72 : i32
        %and3A_74 = arith.andi %ge3A_69, %lt3A_73 : i1
        %convert_element_type3A_75 = arith.extui %and3A_74 : i1 to i32
        %cond3A_76 = arith.constant 0 : i32
        %cond3A_77 = arith.cmpi ne, %convert_element_type3A_75, %cond3A_76 : i32
        scf.if %cond3A_77 {
          %add3A_78 = arith.constant 2 : i32
          %add3A_79 = arith.addi %scan3A_30, %add3A_78 : i32
          %add3A_80 = arith.addi %mul3A_4, %add3A_79 : i32
          %mul3A_81 = arith.constant 128 : i32
          %mul3A_82 = arith.muli %add3A_80, %mul3A_81 : i32
          %dma_start3A_83 = tpu.memref_slice %arg2[%mul3A_82] : memref<320000xi32, #tpu.memory_space<hbm>> -> memref<128xi32, #tpu.memory_space<hbm>>
          %dma_start3A_84 = tpu.memref_slice %arg2[%mul3A_82] : memref<320000xi32, #tpu.memory_space<hbm>> -> memref<128xi32, #tpu.memory_space<hbm>>
          tpu.enqueue_dma source(%dma_start3A_84 : memref<128xi32, #tpu.memory_space<hbm>>) target(%arg6 : memref<128xi32, #tpu.memory_space<vmem>>) target_semaphore(%arg11 : memref<!tpu.dma_semaphore, #tpu.memory_space<semaphore_mem>>)
        } else {
        }
      } else {
      }
      %eq3A_51 = arith.constant 2 : i32
      %eq3A_52 = arith.cmpi eq, %select_n3A_40, %eq3A_51 : i32
      %convert_element_type3A_53 = arith.extui %eq3A_52 : i1 to i32
      %cond3A_54 = arith.constant 0 : i32
      %cond3A_55 = arith.cmpi ne, %convert_element_type3A_53, %cond3A_54 : i32
      scf.if %cond3A_55 {
        %ge3A = arith.constant 1 : i32
        %ge3A_56 = arith.cmpi sge, %scan3A_30, %ge3A : i32
        %convert_element_type3A_57 = arith.extui %ge3A_56 : i1 to i32
        %cond3A_58 = arith.constant 0 : i32
        %cond3A_59 = arith.cmpi ne, %convert_element_type3A_57, %cond3A_58 : i32
        scf.if %cond3A_59 {
          %dma_wait3A_78 = arith.constant 0 : i32
          %dma_wait3A_79 = arith.constant 0 : i32
          %dma_wait3A_80 = tpu.memref_slice %arg10[%dma_wait3A_78, %dma_wait3A_79] : memref<10112x128xf32, #tpu.memory_space<vmem_shared>> -> memref<10112x128xf32, #tpu.memory_space<vmem_shared>>
          tpu.wait_indirect_dma semaphore(%arg15 : memref<!tpu.dma_semaphore, #tpu.memory_space<semaphore_mem>>) src(%arg9 : memref<128x128xf32, #tpu.memory_space<vmem>>) dst(%dma_wait3A_80 : memref<10112x128xf32, #tpu.memory_space<vmem_shared>>)
        } else {
        }
        %ge3A_60 = arith.constant 1 : i32
        %ge3A_61 = arith.cmpi sge, %scan3A_30, %ge3A_60 : i32
        %convert_element_type3A_62 = arith.extui %ge3A_61 : i1 to i32
        %cond3A_63 = arith.constant 0 : i32
        %cond3A_64 = arith.cmpi ne, %convert_element_type3A_62, %cond3A_63 : i32
        scf.if %cond3A_64 {
          %add3A_78 = arith.addi %mul3A_4, %scan3A_30 : i32
          %mul3A_79 = arith.constant 128 : i32
          %mul3A_80 = arith.muli %add3A_78, %mul3A_79 : i32
          %dma_wait3A_81 = tpu.memref_slice %arg2[%mul3A_80] : memref<320000xi32, #tpu.memory_space<hbm>> -> memref<128xi32, #tpu.memory_space<hbm>>
          %dma_wait3A_82 = tpu.memref_slice %arg2[%mul3A_80] : memref<320000xi32, #tpu.memory_space<hbm>> -> memref<128xi32, #tpu.memory_space<hbm>>
          tpu.wait_dma2 semaphore(%arg13 : memref<!tpu.dma_semaphore, #tpu.memory_space<semaphore_mem>>) src(%dma_wait3A_82 : memref<128xi32, #tpu.memory_space<hbm>>) dst(%arg8 : memref<128xi32, #tpu.memory_space<vmem>>)
        } else {
        }
        %dma_start3A_65 = arith.constant 0 : i32
        %dma_start3A_66 = arith.constant 0 : i32
        %dma_start3A_67 = tpu.memref_slice %arg10[%dma_start3A_65, %dma_start3A_66] : memref<10112x128xf32, #tpu.memory_space<vmem_shared>> -> memref<10112x128xf32, #tpu.memory_space<vmem_shared>>
        tpu.enqueue_indirect_dma source(%arg9 : memref<128x128xf32, #tpu.memory_space<vmem>>) target(%dma_start3A_67 : memref<10112x128xf32, #tpu.memory_space<vmem_shared>>) offsets(%arg8 : memref<128xi32, #tpu.memory_space<vmem>>) semaphore(%arg16 : memref<!tpu.dma_semaphore, #tpu.memory_space<semaphore_mem>>) {add = true}
        %ge3A_68 = arith.constant 1 : i32
        %ge3A_69 = arith.cmpi sge, %scan3A_30, %ge3A_68 : i32
        %add3A_70 = arith.constant 2 : i32
        %add3A_71 = arith.addi %scan3A_30, %add3A_70 : i32
        %lt3A_72 = arith.constant 78 : i32
        %lt3A_73 = arith.cmpi slt, %add3A_71, %lt3A_72 : i32
        %and3A_74 = arith.andi %ge3A_69, %lt3A_73 : i1
        %convert_element_type3A_75 = arith.extui %and3A_74 : i1 to i32
        %cond3A_76 = arith.constant 0 : i32
        %cond3A_77 = arith.cmpi ne, %convert_element_type3A_75, %cond3A_76 : i32
        scf.if %cond3A_77 {
          %add3A_78 = arith.constant 2 : i32
          %add3A_79 = arith.addi %scan3A_30, %add3A_78 : i32
          %add3A_80 = arith.addi %mul3A_4, %add3A_79 : i32
          %mul3A_81 = arith.constant 128 : i32
          %mul3A_82 = arith.muli %add3A_80, %mul3A_81 : i32
          %dma_start3A_83 = tpu.memref_slice %arg2[%mul3A_82] : memref<320000xi32, #tpu.memory_space<hbm>> -> memref<128xi32, #tpu.memory_space<hbm>>
          %dma_start3A_84 = tpu.memref_slice %arg2[%mul3A_82] : memref<320000xi32, #tpu.memory_space<hbm>> -> memref<128xi32, #tpu.memory_space<hbm>>
          tpu.enqueue_dma source(%dma_start3A_84 : memref<128xi32, #tpu.memory_space<hbm>>) target(%arg7 : memref<128xi32, #tpu.memory_space<vmem>>) target_semaphore(%arg12 : memref<!tpu.dma_semaphore, #tpu.memory_space<semaphore_mem>>)
        } else {
        }
      } else {
      }
    }
    %scan3A_24 = arith.constant 78 : i32
    %dma_wait3A = arith.constant 0 : i32
    %dma_wait3A_25 = arith.constant 0 : i32
    %dma_wait3A_26 = tpu.memref_slice %arg10[%dma_wait3A, %dma_wait3A_25] : memref<10112x128xf32, #tpu.memory_space<vmem_shared>> -> memref<10112x128xf32, #tpu.memory_space<vmem_shared>>
    tpu.wait_indirect_dma semaphore(%arg16 : memref<!tpu.dma_semaphore, #tpu.memory_space<semaphore_mem>>) src(%arg9 : memref<128x128xf32, #tpu.memory_space<vmem>>) dst(%dma_wait3A_26 : memref<10112x128xf32, #tpu.memory_space<vmem_shared>>)
    %lt3A = arith.constant 4 : i32
    %lt3A_27 = arith.cmpi slt, %add3A, %lt3A : i32
    %convert_element_type3A = arith.extui %lt3A_27 : i1 to i32
    %cond3A = arith.constant 0 : i32
    %cond3A_28 = arith.cmpi ne, %convert_element_type3A, %cond3A : i32
    scf.if %cond3A_28 {
      %add3A_30 = arith.constant 2496 : i32
      %add3A_31 = arith.addi %add3A_30, %add3A : i32
      %mul3A_32 = arith.constant 128 : i32
      %mul3A_33 = arith.muli %add3A_31, %mul3A_32 : i32
      "tpu.region"() ({
        %run_scoped3A = tpu.sem_alloc : memref<!tpu.dma_semaphore, #tpu.memory_space<semaphore_mem>>
        %dma_start3A_34 = tpu.memref_slice %arg2[%mul3A_33] : memref<320000xi32, #tpu.memory_space<hbm>> -> memref<128xi32, #tpu.memory_space<hbm>>
        %dma_start3A_35 = tpu.memref_slice %arg2[%mul3A_33] : memref<320000xi32, #tpu.memory_space<hbm>> -> memref<128xi32, #tpu.memory_space<hbm>>
        tpu.enqueue_dma source(%dma_start3A_35 : memref<128xi32, #tpu.memory_space<hbm>>) target(%arg6 : memref<128xi32, #tpu.memory_space<vmem>>) target_semaphore(%run_scoped3A : memref<!tpu.dma_semaphore, #tpu.memory_space<semaphore_mem>>)
        %dma_wait3A_36 = tpu.memref_slice %arg2[%mul3A_33] : memref<320000xi32, #tpu.memory_space<hbm>> -> memref<128xi32, #tpu.memory_space<hbm>>
        %dma_wait3A_37 = tpu.memref_slice %arg2[%mul3A_33] : memref<320000xi32, #tpu.memory_space<hbm>> -> memref<128xi32, #tpu.memory_space<hbm>>
        tpu.wait_dma2 semaphore(%run_scoped3A : memref<!tpu.dma_semaphore, #tpu.memory_space<semaphore_mem>>) src(%dma_wait3A_37 : memref<128xi32, #tpu.memory_space<hbm>>) dst(%arg6 : memref<128xi32, #tpu.memory_space<vmem>>)
        tpu.yield
      }) : () -> ()
      "tpu.region"() ({
        %run_scoped3A = tpu.sem_alloc : memref<!tpu.dma_semaphore, #tpu.memory_space<semaphore_mem>>
        %dma_start3A_34 = arith.constant 0 : i32
        %dma_start3A_35 = arith.constant 0 : i32
        %dma_start3A_36 = tpu.memref_slice %arg10[%dma_start3A_34, %dma_start3A_35] : memref<10112x128xf32, #tpu.memory_space<vmem_shared>> -> memref<10112x128xf32, #tpu.memory_space<vmem_shared>>
        tpu.enqueue_indirect_dma source(%arg9 : memref<128x128xf32, #tpu.memory_space<vmem>>) target(%dma_start3A_36 : memref<10112x128xf32, #tpu.memory_space<vmem_shared>>) offsets(%arg6 : memref<128xi32, #tpu.memory_space<vmem>>) semaphore(%run_scoped3A : memref<!tpu.dma_semaphore, #tpu.memory_space<semaphore_mem>>) {add = true}
        %dma_wait3A_37 = arith.constant 0 : i32
        %dma_wait3A_38 = arith.constant 0 : i32
        %dma_wait3A_39 = tpu.memref_slice %arg10[%dma_wait3A_37, %dma_wait3A_38] : memref<10112x128xf32, #tpu.memory_space<vmem_shared>> -> memref<10112x128xf32, #tpu.memory_space<vmem_shared>>
        tpu.wait_indirect_dma semaphore(%run_scoped3A : memref<!tpu.dma_semaphore, #tpu.memory_space<semaphore_mem>>) src(%arg9 : memref<128x128xf32, #tpu.memory_space<vmem>>) dst(%dma_wait3A_39 : memref<10112x128xf32, #tpu.memory_space<vmem_shared>>)
        tpu.yield
      }) : () -> ()
    } else {
    }
    %barrier3A_29 = arith.constant 0 : index
    tpu.barrier barrier_id(%barrier3A_29)
    "tpu.region"() ({
      %run_scoped3A = tpu.sem_alloc : memref<!tpu.dma_semaphore, #tpu.memory_space<semaphore_mem>>
      %dma_start3A_30 = arith.constant 0 : i32
      %dma_start3A_31 = tpu.memref_slice %arg5[%arg0, %mul3A_2, %dma_start3A_30] : memref<2x10112x128xf32, #tpu.memory_space<hbm>> -> memref<1x632x128xf32, #tpu.memory_space<hbm>>
      %dma_start3A_32 = tpu.memref_squeeze %dma_start3A_31 : memref<1x632x128xf32, #tpu.memory_space<hbm>> -> memref<632x128xf32, #tpu.memory_space<hbm>>
      %dma_start3A_33 = arith.constant 0 : i32
      %dma_start3A_34 = tpu.memref_slice %arg10[%mul3A_2, %dma_start3A_33] : memref<10112x128xf32, #tpu.memory_space<vmem_shared>> -> memref<632x128xf32, #tpu.memory_space<vmem_shared>>
      tpu.enqueue_dma source(%dma_start3A_34 : memref<632x128xf32, #tpu.memory_space<vmem_shared>>) target(%dma_start3A_32 : memref<632x128xf32, #tpu.memory_space<hbm>>) target_semaphore(%run_scoped3A : memref<!tpu.dma_semaphore, #tpu.memory_space<semaphore_mem>>)
      %dma_wait3A_35 = arith.constant 0 : i32
      %dma_wait3A_36 = tpu.memref_slice %arg5[%arg0, %mul3A_2, %dma_wait3A_35] : memref<2x10112x128xf32, #tpu.memory_space<hbm>> -> memref<1x632x128xf32, #tpu.memory_space<hbm>>
      %dma_wait3A_37 = tpu.memref_squeeze %dma_wait3A_36 : memref<1x632x128xf32, #tpu.memory_space<hbm>> -> memref<632x128xf32, #tpu.memory_space<hbm>>
      %dma_wait3A_38 = arith.constant 0 : i32
      %dma_wait3A_39 = tpu.memref_slice %arg10[%mul3A_2, %dma_wait3A_38] : memref<10112x128xf32, #tpu.memory_space<vmem_shared>> -> memref<632x128xf32, #tpu.memory_space<vmem_shared>>
      tpu.wait_dma2 semaphore(%run_scoped3A : memref<!tpu.dma_semaphore, #tpu.memory_space<semaphore_mem>>) src(%dma_wait3A_39 : memref<632x128xf32, #tpu.memory_space<vmem_shared>>) dst(%dma_wait3A_37 : memref<632x128xf32, #tpu.memory_space<hbm>>)
      tpu.yield
    }) : () -> ()
    return
  }
}

module attributes {stable_mosaic.version = 14 : i64} {
  func.func @_tc_finish_body(%arg0: i32, %arg1: memref<2x400x128xf32, #tpu.memory_space<vmem>>, %arg2: memref<2x400x128xf32, #tpu.memory_space<vmem>>, %arg3: memref<400x128xf32, #tpu.memory_space<vmem>>, %arg4: memref<128x128xf32, #tpu.memory_space<vmem>>, %arg5: memref<128x128xf32, #tpu.memory_space<vmem>>, %arg6: memref<1x128xf32, #tpu.memory_space<vmem>>, %arg7: memref<400x128xf32, #tpu.memory_space<vmem>>) attributes {dimension_semantics = [#tpu.dimension_semantics<arbitrary>], iteration_bounds = array<i64: 25>, scalar_prefetch = 0 : i64, scratch_operands = 0 : i64, tpu.core_type = #tpu.core_type<tc>, window_params = [{transform_indices = @transform_0, window_bounds = array<i64: 2, 400, 128>}, {transform_indices = @transform_1, window_bounds = array<i64: 2, 400, 128>}, {transform_indices = @transform_2, window_bounds = array<i64: 400, 128>}, {pipeline_mode = #tpu.pipeline_mode<synchronous>, transform_indices = @transform_3, window_bounds = array<i64: 128, 128>}, {pipeline_mode = #tpu.pipeline_mode<synchronous>, transform_indices = @transform_4, window_bounds = array<i64: 128, 128>}, {pipeline_mode = #tpu.pipeline_mode<synchronous>, transform_indices = @transform_5, window_bounds = array<i64: 1, 128>}, {transform_indices = @transform_6, window_bounds = array<i64: 400, 128>}]} {
    %get3A = arith.constant 0 : index
    %get3A_0 = arith.constant 0 : index
    %get3A_1 = arith.constant 0 : index
    %get3A_2 = vector.load %arg1[%get3A, %get3A_0, %get3A_1] : memref<2x400x128xf32, #tpu.memory_space<vmem>>, vector<1x400x128xf32>
    %get3A_3 = vector.shape_cast %get3A_2 : vector<1x400x128xf32> to vector<400x128xf32>
    %get3A_4 = arith.constant 1 : index
    %get3A_5 = arith.constant 0 : index
    %get3A_6 = arith.constant 0 : index
    %get3A_7 = vector.load %arg1[%get3A_4, %get3A_5, %get3A_6] : memref<2x400x128xf32, #tpu.memory_space<vmem>>, vector<1x400x128xf32>
    %get3A_8 = vector.shape_cast %get3A_7 : vector<1x400x128xf32> to vector<400x128xf32>
    %add3A = arith.addf %get3A_3, %get3A_8 : vector<400x128xf32>
    %get3A_9 = arith.constant 0 : index
    %get3A_10 = arith.constant 0 : index
    %get3A_11 = arith.constant 0 : index
    %get3A_12 = vector.load %arg2[%get3A_9, %get3A_10, %get3A_11] : memref<2x400x128xf32, #tpu.memory_space<vmem>>, vector<1x400x1xf32>
    %get3A_13 = vector.shape_cast %get3A_12 : vector<1x400x1xf32> to vector<400x1xf32>
    %get3A_14 = arith.constant 1 : index
    %get3A_15 = arith.constant 0 : index
    %get3A_16 = arith.constant 0 : index
    %get3A_17 = vector.load %arg2[%get3A_14, %get3A_15, %get3A_16] : memref<2x400x128xf32, #tpu.memory_space<vmem>>, vector<1x400x1xf32>
    %get3A_18 = vector.shape_cast %get3A_17 : vector<1x400x1xf32> to vector<400x1xf32>
    %add3A_19 = arith.addf %get3A_13, %get3A_18 : vector<400x1xf32>
    %max3A = arith.constant 1.000000e+00 : f32
    %max3A_20 = vector.broadcast %max3A : f32 to vector<400x1xf32>
    %max3A_21 = arith.maximumf %add3A_19, %max3A_20 : vector<400x1xf32>
    %div3A = vector.broadcast %max3A_21 : vector<400x1xf32> to vector<400x128xf32>
    %div3A_22 = arith.divf %add3A, %div3A : vector<400x128xf32>
    %get3A_23 = arith.constant 0 : index
    %get3A_24 = arith.constant 0 : index
    %get3A_25 = vector.load %arg4[%get3A_23, %get3A_24] : memref<128x128xf32, #tpu.memory_space<vmem>>, vector<128x128xf32>
    %dot_general3A = arith.constant dense<0.000000e+00> : vector<400x128xf32>
    %dot_general3A_26 = tpu.matmul %div3A_22, %get3A_25, %dot_general3A {dimension_numbers = #tpu.dot_dimension_numbers<[1], [1], [0], [0], [0, 0, 1, 0], [], []>, transpose_lhs_hint = false} : vector<400x128xf32>, vector<128x128xf32>, vector<400x128xf32> -> vector<400x128xf32>
    %get3A_27 = arith.constant 0 : index
    %get3A_28 = arith.constant 0 : index
    %get3A_29 = vector.load %arg3[%get3A_27, %get3A_28] : memref<400x128xf32, #tpu.memory_space<vmem>>, vector<400x128xf32>
    %get3A_30 = arith.constant 0 : index
    %get3A_31 = arith.constant 0 : index
    %get3A_32 = vector.load %arg5[%get3A_30, %get3A_31] : memref<128x128xf32, #tpu.memory_space<vmem>>, vector<128x128xf32>
    %dot_general3A_33 = arith.constant dense<0.000000e+00> : vector<400x128xf32>
    %dot_general3A_34 = tpu.matmul %get3A_29, %get3A_32, %dot_general3A_33 {dimension_numbers = #tpu.dot_dimension_numbers<[1], [1], [0], [0], [0, 0, 1, 0], [], []>, transpose_lhs_hint = false} : vector<400x128xf32>, vector<128x128xf32>, vector<400x128xf32> -> vector<400x128xf32>
    %add3A_35 = arith.addf %dot_general3A_26, %dot_general3A_34 : vector<400x128xf32>
    %get3A_36 = arith.constant 0 : index
    %get3A_37 = arith.constant 0 : index
    %get3A_38 = vector.load %arg6[%get3A_36, %get3A_37] : memref<1x128xf32, #tpu.memory_space<vmem>>, vector<1x128xf32>
    %add3A_39 = vector.broadcast %get3A_38 : vector<1x128xf32> to vector<400x128xf32>
    %add3A_40 = arith.addf %add3A_35, %add3A_39 : vector<400x128xf32>
    %swap3A = arith.constant 0 : index
    %swap3A_41 = arith.constant 0 : index
    %swap3A_42 = vector.load %arg7[%swap3A, %swap3A_41] : memref<400x128xf32, #tpu.memory_space<vmem>>, vector<400x128xf32>
    tpu.vector_store %arg7[%swap3A, %swap3A_41], %add3A_40 {strides = array<i32>} : memref<400x128xf32, #tpu.memory_space<vmem>>, vector<400x128xf32>,
    return
  }
  func.func @transform_0(%arg0: i32) -> (i32, i32, i32) {
    %c0_i32 = arith.constant 0 : i32
    %c0_i32_0 = arith.constant 0 : i32
    %c0_i32_1 = arith.constant 0 : i32
    return %c0_i32, %arg0, %c0_i32_0 : i32, i32, i32
  }
  func.func @transform_1(%arg0: i32) -> (i32, i32, i32) {
    %c0_i32 = arith.constant 0 : i32
    %c0_i32_0 = arith.constant 0 : i32
    %c0_i32_1 = arith.constant 0 : i32
    return %c0_i32, %arg0, %c0_i32_0 : i32, i32, i32
  }
  func.func @transform_2(%arg0: i32) -> (i32, i32) {
    %c0_i32 = arith.constant 0 : i32
    %c0_i32_0 = arith.constant 0 : i32
    return %arg0, %c0_i32 : i32, i32
  }
  func.func @transform_3(%arg0: i32) -> (i32, i32) {
    %c0_i32 = arith.constant 0 : i32
    %c0_i32_0 = arith.constant 0 : i32
    %c0_i32_1 = arith.constant 0 : i32
    return %c0_i32, %c0_i32_0 : i32, i32
  }
  func.func @transform_4(%arg0: i32) -> (i32, i32) {
    %c0_i32 = arith.constant 0 : i32
    %c0_i32_0 = arith.constant 0 : i32
    %c0_i32_1 = arith.constant 0 : i32
    return %c0_i32, %c0_i32_0 : i32, i32
  }
  func.func @transform_5(%arg0: i32) -> (i32, i32) {
    %c0_i32 = arith.constant 0 : i32
    %c0_i32_0 = arith.constant 0 : i32
    %c0_i32_1 = arith.constant 0 : i32
    return %c0_i32, %c0_i32_0 : i32, i32
  }
  func.func @transform_6(%arg0: i32) -> (i32, i32) {
    %c0_i32 = arith.constant 0 : i32
    %c0_i32_0 = arith.constant 0 : i32
    return %arg0, %c0_i32 : i32, i32
  }
}

</mosaic_0001>

<sc_bundles>
// kernel: kernel.5.cloned.1.call-start
scs
__scs_entry_jumppad:
0x0: {  	(pc) =	sbr.rel $0x88, $3  }
0x1: {  	(tag) =	ssettag $0x0;
	lr =	simm.s32 $0x1  }
0x2: {  	[smem:$0x3F9C] =	sst lr;
	_ =	strace $0xD0000000  }
0x3: {  	_ = 	snop  }
0x4: {  	_ = 	snop  }
0x5: {  	_ = 	snop  }
0x6: {  	_ = 	snop  }
0x7: {  	_ = 	snop  }
__scs_overlays_trampoline_lowered:
0x8: {  	[smem:$0x3FAB] =	sst s0  }
0x9: {  	[smem:$0x3FAC] =	sst s1  }
0xa: {  	[smem:$0x3FAD] =	sst s2  }
0xb: {  	[smem:$0x3FAE] =	sst s3  }
0xc: {  	[smem:$0x3FAF] =	sst s4  }
0xd: {  	[smem:$0x3FB0] =	sst s5  }
0xe: {  	[smem:$0x3FB1] =	sst s6  }
0xf: {  	[smem:$0x3FB2] =	sst s7  }
0x10: {  	[smem:$0x3FB3] =	sst s8  }
0x11: {  	[smem:$0x3FB4] =	sst s9;
	s0 =	simm.s32 @!p0 $0x0  }
0x12: {  	s1 =	sld [smem:$0x3F9A];
	s0 =	simm.s32 @p0 $0x1  }
0x13: {  	[smem:$0x3FB5] =	sst s0;
	s0 =	simm.s32 @!p1 $0x0  }
0x14: {  	s2 =	sld [smem:$0x3F99];
	s0 =	simm.s32 @p1 $0x1  }
0x15: {  	[smem:$0x3FB6] =	sst s0;
	s0 =	simm.s32 @!p2 $0x0  }
0x16: {  	s3 =	sld [smem:$0x3FDB];
	s0 =	simm.s32 @p2 $0x1  }
0x17: {  	s4 =	simm.s32 $0x1BF5;
	[smem:$0x3FB8] =	sst s0  }
0x18: {  	s0 =	sld [smem:$0x3F9B];
	_ =	swait.ge [sflag:s4], $0x0  }
0x19: {  	s7 =	sld [smem:$0x3F9C]  }
0x1a: {  	s8 =	sadd.s32 $0xFFFFE003, lr  }
0x1b: {  	s9 =	sadd.s32 $0xFFFFFEF7, lr;
	s5 =	simm.s32 $0xFFFFFFFF;
	p2 =	slt.u32 s8, $0xFFFFF086  }
0x1c: {  	p1 =	slt.u32 s9, $0xF7A;
	s5 =	simm.s32 @!p2 $0x0  }
0x1d: {  	s5 =	simm.s32 @p1 $0x1;
	p0 =	seq.s32 s7, s2  }
0x1e: {  	s7 =	smul.u32 @!p0 $0xF7A, s2;
	p2 =	seq.s32 @!p0 s5, $0x0  }
0x1f: {  	s9 =	smul.u32 $0xF7A, s1;
	s8 =	simm.s32 @!p0 $0x1BF5;
	p2 =	por !p2, p0  }
0x20: {  	[sflag:s8] =	ssyncset.s32 @!p0 $0xFFFFF086;
	s6 =	sadd.s32 @!p0 s3, s7;
	s7 =	simm.s32 @!p0 $0x108  }
0x21: {  	s3 =	sadd.s32 s3, s9;
	s6 =	sadd.s32 @!p0 $0x88, s6;
	s7 =	simm.s32 @p2 $0x1082  }
0x22: {  	[simem:s7], [sflag:s8] =	dma.local @!p0 [hbm:s6], $0xF7A  }
0x23: {  	s9 =	sor.u32 $0xD0000000, s2;
	s6 =	simm.s32 $0x108;
	_ =	swait.ge @!p0 [sflag:s8], $0x0  }
0x24: {  	s3 =	sadd.s32 $0x88, s3;
	s6 =	simm.s32 @!p1 $0x1082;
	[sflag:s4] =	ssyncset.s32 $0xFFFFF086  }
0x25: {  	[simem:s6], [sflag:s4] =	dma.local [hbm:s3], $0xF7A  }
0x26: {  	[smem:$0x3F9C] =	sst s1;
	(tag) =	ssettag s2;
	_ =	strace s9  }
0x27: {  	s1 =	sld [smem:$0x3FAC]  }
0x28: {  	s2 =	sld [smem:$0x3FAD]  }
0x29: {  	s4 =	sld [smem:$0x3FAF]  }
0x2a: {  	p0 =	seq.s32 s5, $0x0;
	s5 =	sld [smem:$0x3FB0]  }
0x2b: {  	s6 =	sld [smem:$0x3FB1]  }
0x2c: {  	s7 =	sld [smem:$0x3FB2]  }
0x2d: {  	s3 =	simm.s32 $0x108;
	s8 =	sld [smem:$0x3FB3]  }
0x2e: {  	s3 =	simm.s32 @!p0 $0x1082;
	s9 =	sld [smem:$0x3FB4]  }
0x2f: {  	lr =	sadd.s32 s0, s3;
	s0 =	sld [smem:$0x3FAB]  }
0x30: {  	s3 =	sld [smem:$0x3FAE]  }
0x31: {  	[smem:$0x3FB7] =	sst s10  }
0x32: {  	s10 =	sld [smem:$0x3FB5];
	_ =	sdelay $0x3  }
0x33: {  	p0 =	seq.s32 s10, $0x1;
	s10 =	sld [smem:$0x3FB7];
	_ =	sdelay $0x3  }
0x34: {  	[smem:$0x3FB7] =	sst s10  }
0x35: {  	s10 =	sld [smem:$0x3FB6];
	_ =	sdelay $0x3  }
0x36: {  	p1 =	seq.s32 s10, $0x1;
	s10 =	sld [smem:$0x3FB7];
	_ =	sdelay $0x3  }
0x37: {  	[smem:$0x3FB7] =	sst s10  }
0x38: {  	s10 =	sld [smem:$0x3FB8]  }
0x39: {  	_ = 	snop;
	(pc) =	sbr.ind lr, $3  }
0x3a: {  	_ = 	snop  }
0x3b: {  	_ = 	snop  }
0x3c: {  	p2 =	seq.s32 s10, $0x1;
	s10 =	sld [smem:$0x3FB7]  }
0x3d: {  	_ =	shalt  }
0x3e: {  	_ =	shalt  }
0x3f: {  	_ =	shalt  }
0x40: {  	_ =	shalt  }
0x41: {  	_ =	shalt  }
0x42: {  	_ =	shalt  }
0x43: {  	_ =	shalt  }
0x44: {  	_ =	shalt  }
0x45: {  	_ =	shalt  }
0x46: {  	_ =	shalt  }
0x47: {  	_ =	shalt  }
0x48: {  	_ =	shalt  }
0x49: {  	_ =	shalt  }
0x4a: {  	_ =	shalt  }
0x4b: {  	_ =	shalt  }
0x4c: {  	_ =	shalt  }
0x4d: {  	_ =	shalt  }
0x4e: {  	_ =	shalt  }
0x4f: {  	_ =	shalt  }
0x50: {  	_ =	shalt  }
0x51: {  	_ =	shalt  }
0x52: {  	_ =	shalt  }
0x53: {  	_ =	shalt  }
0x54: {  	_ =	shalt  }
0x55: {  	_ =	shalt  }
0x56: {  	_ =	shalt  }
0x57: {  	_ =	shalt  }
0x58: {  	_ =	shalt  }
0x59: {  	_ =	shalt  }
0x5a: {  	_ =	shalt  }
0x5b: {  	_ =	shalt  }
0x5c: {  	_ =	shalt  }
0x5d: {  	_ =	shalt  }
0x5e: {  	_ =	shalt  }
0x5f: {  	_ =	shalt  }
0x60: {  	_ =	shalt  }
0x61: {  	_ =	shalt  }
0x62: {  	_ =	shalt  }
0x63: {  	_ =	shalt  }
0x64: {  	_ =	shalt  }
0x65: {  	_ =	shalt  }
0x66: {  	_ =	shalt  }
0x67: {  	_ =	shalt  }
0x68: {  	_ =	shalt  }
0x69: {  	_ =	shalt  }
0x6a: {  	_ =	shalt  }
0x6b: {  	_ =	shalt  }
0x6c: {  	_ =	shalt  }
0x6d: {  	_ =	shalt  }
0x6e: {  	_ =	shalt  }
0x6f: {  	_ =	shalt  }
0x70: {  	_ =	shalt  }
0x71: {  	_ =	shalt  }
0x72: {  	_ =	shalt  }
0x73: {  	_ =	shalt  }
0x74: {  	_ =	shalt  }
0x75: {  	_ =	shalt  }
0x76: {  	_ =	shalt  }
0x77: {  	_ =	shalt  }
0x78: {  	_ =	shalt  }
0x79: {  	_ =	shalt  }
0x7a: {  	_ =	shalt  }
0x7b: {  	_ =	shalt  }
0x7c: {  	_ =	shalt  }
0x7d: {  	_ =	shalt  }
0x7e: {  	_ =	shalt  }
0x7f: {  	_ =	shalt  }
0x80: {  	_ =	shalt  }
0x81: {  	_ =	shalt  }
0x82: {  	_ =	shalt  }
0x83: {  	_ =	shalt  }
0x84: {  	_ =	shalt  }
0x85: {  	_ =	shalt  }
0x86: {  	_ =	shalt  }
0x87: {  	_ =	shalt  }
.Lfunc_end0:
.L_simem_size_0:
called_computation_lowered:
.L_overlay_start_0:
0x88: {  	s2 =	sld [smem:$0x3FD9]  }
0x89: {  	s3 =	sld [smem:$0x3FFE];
	_ =	sdelay $0x1  }
0x8a: {  	s1 =	srdreg.scid  }
0x8b: {  	s0 =	sand.u32 $0x1, s1  }
0x8c: {  	s17 =	sshll.u32 s0, $0xA;
	s2 =	sadd.s32 s3, s2  }
0x8d: {  	s2 =	sadd.s32 s2, s17  }
0x8e: {  	[smem:$0x3FC3] =	sst s2  }
0x8f: {  	_ = 	snop  }
0x90: {  	s2 =	sld [smem:$0x3FC9]  }
0x91: {  	s18 =	sld [smem:$0x3FD0];
	(tm) =	ssettm $0x1  }
0x92: {  	s4 =	sld [smem:$0x3FFB];
	_ =	sdelay $0x3  }
0x93: {  	_ =	strace s4  }
0x94: {  	s4 =	sld [smem:$0x3FFC];
	_ =	sdelay $0x3  }
0x95: {  	_ =	strace s4  }
0x96: {  	s4 =	sld [smem:$0x3FFD];
	_ =	sdelay $0x3  }
0x97: {  	_ =	strace s4  }
0x98: {  	_ =	strace $0x8FFFFFFF  }
0x99: {  	s19 =	sld [smem:$0x3FDB];
	_ =	sdelay $0x1  }
0x9a: {  	s5 =	simm.s32 $_scs_section_size  }
0x9b: {  	s6 =	simm.s32 $_size__tile_overlayer_lowered;
	s7 =	simm.s32 $_tile_overlayer_lowered  }
0x9c: {  	s22 =	simm.s32 $0x1BFF;
	s21 =	sshll.u32 s7, $0x1;
	s4 =	sadd.s32 s5, s19  }
0x9d: {  	s8 =	simm.s32 $0x0;
	s20 =	sshll.u32 s6, $0x1;
	s6 =	sadd.s32 s21, s4  }
0x9e: {  	[timem:s8], [sflag:s22] =	dma.local [hbm:s6], s20  }
0x9f: {  	_ =	swait.ge [sflag:s22], s20  }
0xa0: {  	s5 =	ssub.s32 $0x0, s20;
	[sflag:s22] =	ssyncset.done $0x0  }
0xa1: {  	[sflag:s22] =	ssyncadd.s32 s5;
	_ =	sdelay $0x1  }
0xa2: {  	s23 =	simm.s32 $0x1B8B  }
0xa3: {  	_ =	swait.ge [sflag:s23], $0x1  }
0xa4: {  	[sflag:s23] =	ssyncset.done $0x0  }
0xa5: {  	s25 =	simm.s32 $0x1B8E;
	s24 =	sld [smem:$0x3FFE];
	[sflag:s23] =	ssyncadd.s32 $0xFFFFFFFF  }
0xa6: {  	s26 =	simm.s32 $execute0_lowered;
	[smem:$0x3FD2] =	sst s25  }
0xa7: {  	s6 =	sshll.u32 s26, $0x1;
	_ =	strace $0x80000046;
	[dreg:$0x1] =	wrdreg $0xFFFFFFFF  }
0xa8: {  	s28 =	simm.s32 $_size_execute0_lowered;
	s4 =	sadd.s32 s4, s6;
	[dreg:$0x0] =	wrdreg $0x0  }
0xa9: {  	s6 =	sshll.u32 s28, $0x1;
	[dreg:$0x2] =	wrdreg s4  }
0xaa: {  	[dreg:$0x3] =	wrdreg s6  }
0xab: {  	[dreg:$0x4] =	wrdreg $0xC0  }
0xac: {  	_ =	task [dreg:s8], $0x5FFFF  }
0xad: {  	[dreg:$0x1] =	wrdreg $0xFFFFFFFF  }
0xae: {  	[dreg:$0x0] =	wrdreg $0x60  }
0xaf: {  	[dreg:$0x2] =	wrdreg s2  }
0xb0: {  	[dreg:$0x3] =	wrdreg s24  }
0xb1: {  	[dreg:$0x4] =	wrdreg s18  }
0xb2: {  	[dreg:$0x5] =	wrdreg $0xC3000  }
0xb3: {  	[dreg:$0x6] =	wrdreg $0x9  }
0xb4: {  	_ =	task.clear_ibuf [dreg:s8], $0x7FFFF;
	_ =	strace $0x90000046  }
0xb5: {  	s29 =	simm.s32 $0x9;
	_ =	strace $0x80000048  }
0xb6: {  	_ =	swait.ge [sflag:s29], $0x1  }
0xb7: {  	[sflag:s29] =	ssyncadd.s32 $0xFFFFFFFF  }
0xb8: {  	_ =	strace $0x90000048  }
0xb9: {  	_ =	sfence  }
0xba: {  	s30 =	sld [smem:$0x0];
	_ =	sdelay $0x2  }
0xbb: {  	s31 =	sshll.u32 s1, $0xD;
	s1 =	sshrl.u32 s1, $0x2  }
0xbc: {  	s3 =	sand.u32 $0x4000, s31;
	s1 =	sadd.s32 s1, s30  }
0xbd: {  	s0 =	sor.u32 s3, s0;
	s1 =	sshll.u32 s1, $0x11  }
0xbe: {  	s0 =	sor.u32 s1, s0  }
0xbf: {  	s0 =	sadd.s32 $0x8F2B, s0  }
0xc0: {  	[sflag:s0] =	ssyncadd.remote.s32 $0x1  }
0xc1: {  	_ =	sfence.sel $0xFFFF  }
0xc2: {  	[dreg:$0x0] =	wrdreg $0xFFFFFFFF;
	(pc) =	sbr.abs _section_cstart, $3  }
0xc3: {  	[dreg:$0x1] =	wrdreg $0xFFFFFFFF  }
0xc4: {  	_ =	task.clear_ibuf [dreg:s8], $0x2FFFF;
	_ =	strace $0x9FFFFFFF  }
0xc5: {  	(tm) =	ssettm $0x7FFFFFFF  }
tec
execute0_lowered:
.L_overlay_start_1:
0x0: {  	(tag) =	ssettag $0x1  }
0x1: {  	s0 =	rddreg [dreg:$0x0]  }
0x2: {  	s1 =	rddreg [dreg:$0x1]  }
0x3: {  	s2 =	rddreg [dreg:$0x2]  }
0x4: {  	s4 =	srdreg.scid;
	s3 =	rddreg [dreg:$0x3]  }
0x5: {  	s13 =	stileid.u32;
	s28 =	simm.s32 $0x8;
	s29 =	simm.s32 $0x6  }
0x6: {  	s30 =	simm.s32 $0x8300;
	s31 =	simm.s32 $0x9;
	s7 =	smul.u32 $0x13C00, s13  }
0x7: {  	s5 =	sand.u32 $0x1, s4;
	s4 =	simm.s32 $0x0;
	s11 =	smul.u32 $0x4F000, s13  }
0x8: {  	s8 =	sadd.s32 $0x1000, s1;
	s15 =	sadd.s32 $0xAE00, s1;
	s23 =	smul.u32 $0x4E, s13  }
0x9: {  	s19 =	sshll.u32 s13, $0x6;
	s25 =	sshll.u32 s13, $0x4;
	s6 =	smul.u32 $0x13C000, s5  }
0xa: {  	[smem:$0x7FF] =	sst s4;
	s16 =	ssub.s32 $0x2, s5;
	s10 =	sshll.u32 s5, $0x4  }
0xb: {  	s5 =	smul.u32 $0x4E0, s5;
	s26 =	sor.u32 $0x9C00, s25;
	s25 =	simm.s32 $0x4300  }
0xc: {  	_ =	strace $0x80000047;
	[dreg:$0x5] =	wrdreg s15;
	s9 =	sshrl.u32 s16, $0x1  }
0xd: {  	s12 =	sor.u32 s13, s10;
	s18 =	sshrl.u32 s11, $0x2;
	s15 =	sadd.s32 s2, s26  }
0xe: {  	s6 =	sadd.s32 s7, s6;
	s17 =	ssub.s32 s16, s9;
	s10 =	smul.u32 $0x4E0, s12  }
0xf: {  	s7 =	sadd.s32 s18, s3;
	s20 =	smul.u32 $0x2700, s12;
	s5 =	sadd.s32 s23, s5  }
0x10: {  	s23 =	simm.s32 $0x300;
	p0 =	sgt.u32 s12, $0x3;
	s6 =	sshrl.u32 s6, $0x3  }
0x11: {  	[dreg:$0x6] =	wrdreg s7;
	s7 =	sor.u32 $0x1C0A, s19;
	s5 =	sshll.u32 s5, $0x4  }
0x12: {  	s17 =	smax.u32 s17, $0x1;
	s1 =	sadd.s32 s6, s1;
	s21 =	sadd.s32 s8, s10  }
0x13: {  	s22 =	sadd.s32 s2, s10;
	s10 =	sor.u32 $0x10, s10;
	s9 =	sshrl.u32 s20, $0x3  }
0x14: {  	s5 =	sadd.s32 $0x20, s5;
	s20 =	simm.s32 $0xA;
	[dreg:$0x7] =	wrdreg s21  }
0x15: {  	s6 =	simm.s32 $0x0;
	[dreg:$0x8] =	wrdreg s22;
	s14 =	sadd.s32 s8, s10  }
0x16: {  	s10 =	sadd.s32 s2, s10;
	s9 =	sadd.s32 $0x20, s9;
	s16 =	sadd.s32 $0xD600, s1  }
0x17: {  	s21 =	simm.s32 $0x180;
	s22 =	simm.s32 $0x80;
	[dreg:$0x9] =	wrdreg s14  }
.Ltmp0:
0x18: {  	[dreg:$0xa] =	wrdreg s10;
	s24 =	sadd.s32 s8, s9;
	(pc) =	sbr.rel .LBB2_1-.Ltmp0, $4  }
0x19: {  	s1 =	simm.s32 $0x7;
	s9 =	sadd.s32 s2, s9;
	[dreg:$0xb] =	wrdreg s24  }
0x1a: {  	s10 =	sadd.s32 s8, s26;
	s26 =	simm.s32 $0x280;
	[dreg:$0xc] =	wrdreg s9  }
0x1b: {  	[dreg:$0xd] =	wrdreg s10;
	s10 =	sadd.s32 s5, s8;
	s9 =	sadd.s32 s5, s2  }
0x1c: {  	s24 =	simm.s32 $0x200;
	s2 =	simm.s32 $0x5;
	s5 =	simm.s32 $0x4  }
.LBB2_8:
0x1d: {  	_ =	swait.ge [sflag:s31], $0x4000  }
0x1e: {  	[sflag:s31] =	ssyncset.done $0x0  }
0x1f: {  	s11 =	simm.s32 @!p0 $0x0;
	s12 =	rddreg [dreg:$0xd];
	[sflag:s31] =	ssyncadd.s32 $0xFFFFC000  }
0x20: {  	[tilespmem:s11], [sflag:$0xA] =	stream.linear.gather @!p0 [hbm4b:s12+s11], $0x80, $0x38;
	[tilespmem:$0x1FF00] =	vst v63  }
0x21: {  	s12 =	simm.s32 @!p0 $0xA  }
0x22: {  	_ =	swait.ge @!p0 [sflag:s12], $0x80  }
0x23: {  	[sflag:s12] =	ssyncset.done @!p0 $0x0  }
0x24: {  	s13 =	simm.s32 @!p0 $0x180;
	[sflag:s12] =	ssyncadd.s32 @!p0 $0xFFFFFF80  }
0x25: {  	[tilespmem:s13], [sflag:$0xA] =	stream.linear.gather @!p0 [hbm4b:s15+s11], $0x80, $0x38;
	[tilespmem:$0x1FF00] =	vst v63  }
0x26: {  	_ =	swait.ge @!p0 [sflag:s12], $0x80  }
0x27: {  	[sflag:s12] =	ssyncset.done @!p0 $0x0  }
0x28: {  	s14 =	simm.s32 @!p0 $0x80;
	s18 =	simm.s32 @!p0 $0x300;
	[sflag:s12] =	ssyncadd.s32 @!p0 $0xFFFFFF80  }
0x29: {  	[tilespmem:s18], [sflag:$0x4] =	stream.indirect.gather @!p0 [hbm4b:s0+s14], $0x80, s11, s14, $0xb8;
	[tilespmem:$0x1FF00] =	vst v63  }
0x2a: {  	s11 =	simm.s32 @!p0 $0x4  }
0x2b: {  	_ =	swait.ge @!p0 [sflag:s11], $0x4000  }
0x2c: {  	[sflag:s11] =	ssyncset.done @!p0 $0x0  }
0x2d: {  	[sflag:s11] =	ssyncadd.s32 @!p0 $0xFFFFC000  }
0x2e: {  	[spmem:s3] =	stream.indirect.scatter.add.f32 @!p0 [tilespmem:s18], [sflag:$0xA], $0x80, s13, s14, $0xb8;
	[tilespmem:$0x1FF00] =	vst v63  }
0x2f: {  	_ =	swait.ge @!p0 [sflag:s12], $0x4000  }
0x30: {  	s6 =	sadd.s32 $0x1, s6;
	[sflag:s12] =	ssyncset.done @!p0 $0x0  }
0x31: {  	p1 =	sne.s32 s6, s17;
	[sflag:s12] =	ssyncadd.s32 @!p0 $0xFFFFC000  }
.Ltmp1:
0x32: {  	[bflag:$0x0] =	sbarrier.arrive $0xFFFF;
	(pc) =	sbr.rel @!p1 .LBB2_9-.Ltmp1, $4  }
0x33: {  	[hbm:s16], [sflag:s7] =	dma.local [spmem:s8], $0x2780  }
0x34: {  	_ =	swait.ge [sflag:s20], $0x2780  }
0x35: {  	[sflag:s20] =	ssyncset.done $0x0  }
0x36: {  	[sflag:s20] =	ssyncadd.s32 $0xFFFFD880  }
.LBB2_1:
0x37: {  	s8 =	rddreg [dreg:$0x6]  }
0x38: {  	s11 =	rddreg [dreg:$0x5];
	s8 =	sshrl.u32 s8, $0x3  }
0x39: {  	[spmem:s8], [sflag:s7] =	dma.local [hbm:s11], $0x2780  }
0x3a: {  	_ =	swait.ge [sflag:s20], $0x2780  }
0x3b: {  	[sflag:s20] =	ssyncset.done $0x0  }
0x3c: {  	s19 =	rddreg [dreg:$0x7];
	[sflag:s20] =	ssyncadd.s32 $0xFFFFD880  }
0x3d: {  	[tilespmem:s4], [sflag:$0xA] =	stream.linear.gather [hbm4b:s19+s4], $0x80, $0x38;
	[tilespmem:$0x1FF00] =	vst v63  }
0x3e: {  	_ =	swait.ge [sflag:s20], $0x80  }
0x3f: {  	[sflag:s20] =	ssyncset.done $0x0  }
0x40: {  	s12 =	rddreg [dreg:$0x8];
	[sflag:s20] =	ssyncadd.s32 $0xFFFFFF80  }
0x41: {  	[tilespmem:s21], [sflag:$0xA] =	stream.linear.gather [hbm4b:s12+s4], $0x80, $0x38;
	[tilespmem:$0x1FF00] =	vst v63  }
0x42: {  	_ =	swait.ge [sflag:s20], $0x80  }
0x43: {  	[sflag:s20] =	ssyncset.done $0x0  }
0x44: {  	[sflag:s20] =	ssyncadd.s32 $0xFFFFFF80  }
0x45: {  	[tilespmem:s23], [sflag:$0x4] =	stream.indirect.gather [hbm4b:s0+s22], $0x80, s4, s22, $0xb8;
	[tilespmem:$0x1FF00] =	vst v63  }
0x46: {  	s13 =	rddreg [dreg:$0x9]  }
0x47: {  	[tilespmem:s22], [sflag:$0x2] =	stream.linear.gather [hbm4b:s13+s4], $0x80, $0x38;
	[tilespmem:$0x1FF00] =	vst v63  }
0x48: {  	s14 =	rddreg [dreg:$0xa]  }
0x49: {  	[tilespmem:s24], [sflag:$0x2] =	stream.linear.gather [hbm4b:s14+s4], $0x80, $0x38;
	[tilespmem:$0x1FF00] =	vst v63  }
0x4a: {  	s12 =	simm.s32 $0x100;
	s18 =	rddreg [dreg:$0xb]  }
0x4b: {  	[tilespmem:s12], [sflag:$0x3] =	stream.linear.gather [hbm4b:s18+s4], $0x80, $0x38;
	[tilespmem:$0x1FF00] =	vst v63  }
.Ltmp2:
0x4c: {  	_ = 	snop;
	(pc) =	sbr.rel .LBB2_2-.Ltmp2, $4  }
0x4d: {  	s19 =	rddreg [dreg:$0xc]  }
0x4e: {  	[tilespmem:s26], [sflag:$0x3] =	stream.linear.gather [hbm4b:s19+s4], $0x80, $0x38;
	[tilespmem:$0x1FF00] =	vst v63  }
0x4f: {  	[bflag:$0x0] =	sbarrier.arrive $0xFFFF  }
0x50: {  	s11 =	simm.s32 $0x0;
	s18 =	smov.u32 s10;
	s19 =	smov.u32 s9  }
.LBB2_6:
0x51: {  	p1 =	seq.s32 s11, $0x4D  }
0x52: {  	s12 =	simm.s32 @!p1 $0x1  }
0x53: {  	_ =	swait.ge @!p1 [sflag:s12], $0x80  }
0x54: {  	[sflag:s12] =	ssyncset.done @!p1 $0x0  }
0x55: {  	[sflag:s12] =	ssyncadd.s32 @!p1 $0xFFFFFF80  }
0x56: {  	_ =	swait.ge @!p1 [sflag:s12], $0x80  }
0x57: {  	s13 =	simm.s32 @!p1 $0x0;
	[sflag:s12] =	ssyncset.done @!p1 $0x0  }
0x58: {  	s14 =	simm.s32 @!p1 $0x300;
	[sflag:s12] =	ssyncadd.s32 @!p1 $0xFFFFFF80;
	s12 =	simm.s32 @!p1 $0x80  }
0x59: {  	[tilespmem:s14], [sflag:$0x4] =	stream.indirect.gather @!p1 [hbm4b:s0+s12], $0x80, s13, s12, $0xb8;
	[tilespmem:$0x1FF00] =	vst v63  }
0x5a: {  	_ =	swait.ge [sflag:s28], $0x4000  }
0x5b: {  	[sflag:s28] =	ssyncset.done $0x0  }
0x5c: {  	[sflag:s28] =	ssyncadd.s32 $0xFFFFC000  }
0x5d: {  	_ =	swait.ge [sflag:s29], $0x4000  }
0x5e: {  	s14 =	sadd.s32 $0xFFFFFFFF, s11;
	[sflag:s29] =	ssyncset.done $0x0  }
0x5f: {  	p1 =	sgt.u32 s14, $0x4A;
	[sflag:s29] =	ssyncadd.s32 $0xFFFFC000  }
0x60: {  	[spmem:s3] =	stream.indirect.scatter.add.f32 [tilespmem:s30], [sflag:$0x9], $0x80, s26, s22, $0xb8;
	[tilespmem:$0x1FF00] =	vst v63  }
0x61: {  	s12 =	simm.s32 @!p1 $0x0;
	s13 =	simm.s32 @!p1 $0x80  }
0x62: {  	[tilespmem:s13], [sflag:$0x2] =	stream.linear.gather @!p1 [hbm4b:s18+s12], $0x80, $0x38;
	[tilespmem:$0x1FF00] =	vst v63  }
0x63: {  	s13 =	simm.s32 @!p1 $0x200  }
0x64: {  	[tilespmem:s13], [sflag:$0x2] =	stream.linear.gather @!p1 [hbm4b:s19+s12], $0x80, $0x38;
	[tilespmem:$0x1FF00] =	vst v63  }
.LBB2_7:
0x65: {  	s11 =	sadd.s32 $0x1, s11  }
0x66: {  	p1 =	sne.s32 s11, $0x4E  }
.Ltmp3:
0x67: {  	_ = 	snop;
	(pc) =	sbr.rel @!p1 .LBB2_8-.Ltmp3, $2  }
0x68: {  	_ =	sdelay $0x2  }
0x69: {  	s18 =	sadd.s32 $0x10, s18;
	s19 =	sadd.s32 $0x10, s19  }
.LBB2_2:
0x6a: {  	s12 =	smul.u32 $0xAB, s11;
	_ =	sdelay $0x1  }
0x6b: {  	s12 =	sshrl.u32 s12, $0x9  }
0x6c: {  	s12 =	sand.u32 $0x7F, s12  }
0x6d: {  	s12 =	smul.u32 $0x3, s12;
	_ =	sdelay $0x1  }
0x6e: {  	s12 =	ssub.s32 s11, s12  }
0x6f: {  	s12 =	sand.u32 $0xFF, s12  }
0x70: {  	p1 =	seq.s32 s12, $0x2  }
.Ltmp4:
0x71: {  	_ = 	snop;
	(pc) =	sbr.rel @p1 .LBB2_6-.Ltmp4, $1  }
0x72: {  	_ =	sdelay $0x3  }
0x73: {  	p1 =	seq.s32 s12, $0x1  }
.Ltmp5:
0x74: {  	_ = 	snop;
	(pc) =	sbr.rel @!p1 .LBB2_4-.Ltmp5, $1  }
0x75: {  	_ =	sdelay $0x3  }
0x76: {  	p1 =	seq.s32 s11, $0x4D  }
0x77: {  	s12 =	simm.s32 @!p1 $0x3  }
0x78: {  	_ =	swait.ge @!p1 [sflag:s12], $0x80  }
0x79: {  	[sflag:s12] =	ssyncset.done @!p1 $0x0  }
0x7a: {  	[sflag:s12] =	ssyncadd.s32 @!p1 $0xFFFFFF80  }
0x7b: {  	_ =	swait.ge @!p1 [sflag:s12], $0x80  }
0x7c: {  	s13 =	simm.s32 @!p1 $0x100;
	[sflag:s12] =	ssyncset.done @!p1 $0x0  }
0x7d: {  	s14 =	simm.s32 @!p1 $0x8300;
	[sflag:s12] =	ssyncadd.s32 @!p1 $0xFFFFFF80;
	s12 =	simm.s32 @!p1 $0x80  }
0x7e: {  	[tilespmem:s14], [sflag:$0x6] =	stream.indirect.gather @!p1 [hbm4b:s0+s12], $0x80, s13, s12, $0xb8;
	[tilespmem:$0x1FF00] =	vst v63  }
0x7f: {  	_ =	swait.ge [sflag:s1], $0x4000  }
0x80: {  	[sflag:s1] =	ssyncset.done $0x0  }
0x81: {  	[sflag:s1] =	ssyncadd.s32 $0xFFFFC000  }
0x82: {  	_ =	swait.ge [sflag:s2], $0x4000  }
0x83: {  	[sflag:s2] =	ssyncset.done $0x0  }
0x84: {  	s14 =	sadd.s32 $0xFFFFFFFF, s11;
	[sflag:s2] =	ssyncadd.s32 $0xFFFFC000  }
0x85: {  	[spmem:s3] =	stream.indirect.scatter.add.f32 [tilespmem:s25], [sflag:$0x8], $0x80, s24, s22, $0xb8;
	[tilespmem:$0x1FF00] =	vst v63  }
.Ltmp6:
0x86: {  	p1 =	sgt.u32 s14, $0x4A;
	(pc) =	sbr.rel .LBB2_7-.Ltmp6, $4  }
0x87: {  	s12 =	simm.s32 @!p1 $0x0  }
0x88: {  	[tilespmem:s12], [sflag:$0x1] =	stream.linear.gather @!p1 [hbm4b:s18+s12], $0x80, $0x38;
	[tilespmem:$0x1FF00] =	vst v63  }
0x89: {  	s13 =	simm.s32 @!p1 $0x180  }
0x8a: {  	[tilespmem:s13], [sflag:$0x1] =	stream.linear.gather @!p1 [hbm4b:s19+s12], $0x80, $0x38;
	[tilespmem:$0x1FF00] =	vst v63  }
.LBB2_4:
0x8b: {  	p1 =	seq.s32 s11, $0x4D  }
0x8c: {  	s12 =	simm.s32 @!p1 $0x2  }
0x8d: {  	_ =	swait.ge @!p1 [sflag:s12], $0x80  }
0x8e: {  	[sflag:s12] =	ssyncset.done @!p1 $0x0  }
0x8f: {  	[sflag:s12] =	ssyncadd.s32 @!p1 $0xFFFFFF80  }
0x90: {  	_ =	swait.ge @!p1 [sflag:s12], $0x80  }
0x91: {  	s13 =	simm.s32 @!p1 $0x4300;
	[sflag:s12] =	ssyncset.done @!p1 $0x0  }
0x92: {  	p2 =	seq.s32 @!p1 s11, $0x0;
	[sflag:s12] =	ssyncadd.s32 @!p1 $0xFFFFFF80;
	s12 =	simm.s32 @!p1 $0x80  }
0x93: {  	[tilespmem:s13], [sflag:$0x5] =	stream.indirect.gather @!p1 [hbm4b:s0+s12], $0x80, s12, s12, $0xb8;
	[tilespmem:$0x1FF00] =	vst v63  }
0x94: {  	p1 =	por p1, !p2  }
0x95: {  	_ =	swait.ge @p1 [sflag:s31], $0x4000  }
0x96: {  	[sflag:s31] =	ssyncset.done @p1 $0x0  }
0x97: {  	[sflag:s31] =	ssyncadd.s32 @p1 $0xFFFFC000  }
0x98: {  	_ =	swait.ge [sflag:s5], $0x4000  }
0x99: {  	[sflag:s5] =	ssyncset.done $0x0  }
0x9a: {  	s14 =	sadd.s32 $0xFFFFFFFF, s11;
	[sflag:s5] =	ssyncadd.s32 $0xFFFFC000  }
0x9b: {  	[spmem:s3] =	stream.indirect.scatter.add.f32 [tilespmem:s23], [sflag:$0x7], $0x80, s21, s22, $0xb8;
	[tilespmem:$0x1FF00] =	vst v63  }
.Ltmp7:
0x9c: {  	p1 =	sgt.u32 s14, $0x4A;
	(pc) =	sbr.rel .LBB2_7-.Ltmp7, $4  }
0x9d: {  	s12 =	simm.s32 @!p1 $0x0;
	s13 =	simm.s32 @!p1 $0x100  }
0x9e: {  	[tilespmem:s13], [sflag:$0x3] =	stream.linear.gather @!p1 [hbm4b:s18+s12], $0x80, $0x38;
	[tilespmem:$0x1FF00] =	vst v63  }
0x9f: {  	s13 =	simm.s32 @!p1 $0x280  }
0xa0: {  	[tilespmem:s13], [sflag:$0x3] =	stream.linear.gather @!p1 [hbm4b:s19+s12], $0x80, $0x38;
	[tilespmem:$0x1FF00] =	vst v63  }
.LBB2_9:
0xa1: {  	_ =	sfence.sel $0x180000  }
0xa2: {  	[bflag:$0x0] =	sbarrier.arrive $0xFFFF  }
0xa3: {  	_ =	strace $0x90000047  }
0xa4: {  	s0 =	stileid.u32;
	[bflag:$0x2] =	sbarrier.arrive $0xFFFF  }
0xa5: {  	p0 =	sne.s32 s0, $0x0;
	s0 =	rddreg [dreg:$0x4]  }
0xa6: {  	s0 =	sadd.s32 @!p0 $0x100000, s0  }
0xa7: {  	[sflag:s0] =	ssyncadd.tile.s32 @!p0 $0x1;
	_ =	shalt  }
.Lfunc_end2:
_tile_overlayer_lowered:
.L_overlay_start_2:
0xa8: {  	(tag) =	ssettag $0x2  }
0xa9: {  	s0 =	rddreg [dreg:$0x0];
	s2 =	stileid.u32  }
0xaa: {  	s1 =	rddreg [dreg:$0x1];
	p0 =	sne.s32 s2, $0x0  }
0xab: {  	s3 =	rddreg [dreg:$0x2];
	[bflag:$0x3] =	sbarrier.arrive $0xFFFF;
	s2 =	simm.s32 @!p0 $0x1C0A  }
0xac: {  	[timem:s3], [sflag:s2] =	dma.local @!p0 [hbm:s0], s1  }
0xad: {  	s0 =	simm.s32 @!p0 $0xA  }
0xae: {  	_ =	swait.ge @!p0 [sflag:s0], s1  }
0xaf: {  	s1 =	ssub.s32 @!p0 $0x0, s1;
	[sflag:s0] =	ssyncset.done @!p0 $0x0  }
0xb0: {  	[sflag:s0] =	ssyncadd.s32 @!p0 s1  }
0xb1: {  	[bflag:$0x3] =	sbarrier.arrive $0xFFFF  }
0xb2: {  	_ =	shalt  }

// kernel: kernel.8.cloned.1.call-start
scs
__scs_entry_jumppad:
0x0: {  	(pc) =	sbr.rel $0x88, $3  }
0x1: {  	(tag) =	ssettag $0x0;
	lr =	simm.s32 $0x1  }
0x2: {  	[smem:$0x3F9C] =	sst lr;
	_ =	strace $0xD0000000  }
0x3: {  	_ = 	snop  }
0x4: {  	_ = 	snop  }
0x5: {  	_ = 	snop  }
0x6: {  	_ = 	snop  }
0x7: {  	_ = 	snop  }
__scs_overlays_trampoline_lowered:
0x8: {  	[smem:$0x3FAB] =	sst s0  }
0x9: {  	[smem:$0x3FAC] =	sst s1  }
0xa: {  	[smem:$0x3FAD] =	sst s2  }
0xb: {  	[smem:$0x3FAE] =	sst s3  }
0xc: {  	[smem:$0x3FAF] =	sst s4  }
0xd: {  	[smem:$0x3FB0] =	sst s5  }
0xe: {  	[smem:$0x3FB1] =	sst s6  }
0xf: {  	[smem:$0x3FB2] =	sst s7  }
0x10: {  	[smem:$0x3FB3] =	sst s8  }
0x11: {  	[smem:$0x3FB4] =	sst s9;
	s0 =	simm.s32 @!p0 $0x0  }
0x12: {  	s1 =	sld [smem:$0x3F9A];
	s0 =	simm.s32 @p0 $0x1  }
0x13: {  	[smem:$0x3FB5] =	sst s0;
	s0 =	simm.s32 @!p1 $0x0  }
0x14: {  	s2 =	sld [smem:$0x3F99];
	s0 =	simm.s32 @p1 $0x1  }
0x15: {  	[smem:$0x3FB6] =	sst s0;
	s0 =	simm.s32 @!p2 $0x0  }
0x16: {  	s3 =	sld [smem:$0x3FDB];
	s0 =	simm.s32 @p2 $0x1  }
0x17: {  	s4 =	simm.s32 $0x1BF5;
	[smem:$0x3FB8] =	sst s0  }
0x18: {  	s0 =	sld [smem:$0x3F9B];
	_ =	swait.ge [sflag:s4], $0x0  }
0x19: {  	s7 =	sld [smem:$0x3F9C]  }
0x1a: {  	s8 =	sadd.s32 $0xFFFFE003, lr  }
0x1b: {  	s9 =	sadd.s32 $0xFFFFFEF7, lr;
	s5 =	simm.s32 $0xFFFFFFFF;
	p2 =	slt.u32 s8, $0xFFFFF086  }
0x1c: {  	p1 =	slt.u32 s9, $0xF7A;
	s5 =	simm.s32 @!p2 $0x0  }
0x1d: {  	s5 =	simm.s32 @p1 $0x1;
	p0 =	seq.s32 s7, s2  }
0x1e: {  	s7 =	smul.u32 @!p0 $0xF7A, s2;
	p2 =	seq.s32 @!p0 s5, $0x0  }
0x1f: {  	s9 =	smul.u32 $0xF7A, s1;
	s8 =	simm.s32 @!p0 $0x1BF5;
	p2 =	por !p2, p0  }
0x20: {  	[sflag:s8] =	ssyncset.s32 @!p0 $0xFFFFF086;
	s6 =	sadd.s32 @!p0 s3, s7;
	s7 =	simm.s32 @!p0 $0x108  }
0x21: {  	s3 =	sadd.s32 s3, s9;
	s6 =	sadd.s32 @!p0 $0x88, s6;
	s7 =	simm.s32 @p2 $0x1082  }
0x22: {  	[simem:s7], [sflag:s8] =	dma.local @!p0 [hbm:s6], $0xF7A  }
0x23: {  	s9 =	sor.u32 $0xD0000000, s2;
	s6 =	simm.s32 $0x108;
	_ =	swait.ge @!p0 [sflag:s8], $0x0  }
0x24: {  	s3 =	sadd.s32 $0x88, s3;
	s6 =	simm.s32 @!p1 $0x1082;
	[sflag:s4] =	ssyncset.s32 $0xFFFFF086  }
0x25: {  	[simem:s6], [sflag:s4] =	dma.local [hbm:s3], $0xF7A  }
0x26: {  	[smem:$0x3F9C] =	sst s1;
	(tag) =	ssettag s2;
	_ =	strace s9  }
0x27: {  	s1 =	sld [smem:$0x3FAC]  }
0x28: {  	s2 =	sld [smem:$0x3FAD]  }
0x29: {  	s4 =	sld [smem:$0x3FAF]  }
0x2a: {  	p0 =	seq.s32 s5, $0x0;
	s5 =	sld [smem:$0x3FB0]  }
0x2b: {  	s6 =	sld [smem:$0x3FB1]  }
0x2c: {  	s7 =	sld [smem:$0x3FB2]  }
0x2d: {  	s3 =	simm.s32 $0x108;
	s8 =	sld [smem:$0x3FB3]  }
0x2e: {  	s3 =	simm.s32 @!p0 $0x1082;
	s9 =	sld [smem:$0x3FB4]  }
0x2f: {  	lr =	sadd.s32 s0, s3;
	s0 =	sld [smem:$0x3FAB]  }
0x30: {  	s3 =	sld [smem:$0x3FAE]  }
0x31: {  	[smem:$0x3FB7] =	sst s10  }
0x32: {  	s10 =	sld [smem:$0x3FB5];
	_ =	sdelay $0x3  }
0x33: {  	p0 =	seq.s32 s10, $0x1;
	s10 =	sld [smem:$0x3FB7];
	_ =	sdelay $0x3  }
0x34: {  	[smem:$0x3FB7] =	sst s10  }
0x35: {  	s10 =	sld [smem:$0x3FB6];
	_ =	sdelay $0x3  }
0x36: {  	p1 =	seq.s32 s10, $0x1;
	s10 =	sld [smem:$0x3FB7];
	_ =	sdelay $0x3  }
0x37: {  	[smem:$0x3FB7] =	sst s10  }
0x38: {  	s10 =	sld [smem:$0x3FB8]  }
0x39: {  	_ = 	snop;
	(pc) =	sbr.ind lr, $3  }
0x3a: {  	_ = 	snop  }
0x3b: {  	_ = 	snop  }
0x3c: {  	p2 =	seq.s32 s10, $0x1;
	s10 =	sld [smem:$0x3FB7]  }
0x3d: {  	_ =	shalt  }
0x3e: {  	_ =	shalt  }
0x3f: {  	_ =	shalt  }
0x40: {  	_ =	shalt  }
0x41: {  	_ =	shalt  }
0x42: {  	_ =	shalt  }
0x43: {  	_ =	shalt  }
0x44: {  	_ =	shalt  }
0x45: {  	_ =	shalt  }
0x46: {  	_ =	shalt  }
0x47: {  	_ =	shalt  }
0x48: {  	_ =	shalt  }
0x49: {  	_ =	shalt  }
0x4a: {  	_ =	shalt  }
0x4b: {  	_ =	shalt  }
0x4c: {  	_ =	shalt  }
0x4d: {  	_ =	shalt  }
0x4e: {  	_ =	shalt  }
0x4f: {  	_ =	shalt  }
0x50: {  	_ =	shalt  }
0x51: {  	_ =	shalt  }
0x52: {  	_ =	shalt  }
0x53: {  	_ =	shalt  }
0x54: {  	_ =	shalt  }
0x55: {  	_ =	shalt  }
0x56: {  	_ =	shalt  }
0x57: {  	_ =	shalt  }
0x58: {  	_ =	shalt  }
0x59: {  	_ =	shalt  }
0x5a: {  	_ =	shalt  }
0x5b: {  	_ =	shalt  }
0x5c: {  	_ =	shalt  }
0x5d: {  	_ =	shalt  }
0x5e: {  	_ =	shalt  }
0x5f: {  	_ =	shalt  }
0x60: {  	_ =	shalt  }
0x61: {  	_ =	shalt  }
0x62: {  	_ =	shalt  }
0x63: {  	_ =	shalt  }
0x64: {  	_ =	shalt  }
0x65: {  	_ =	shalt  }
0x66: {  	_ =	shalt  }
0x67: {  	_ =	shalt  }
0x68: {  	_ =	shalt  }
0x69: {  	_ =	shalt  }
0x6a: {  	_ =	shalt  }
0x6b: {  	_ =	shalt  }
0x6c: {  	_ =	shalt  }
0x6d: {  	_ =	shalt  }
0x6e: {  	_ =	shalt  }
0x6f: {  	_ =	shalt  }
0x70: {  	_ =	shalt  }
0x71: {  	_ =	shalt  }
0x72: {  	_ =	shalt  }
0x73: {  	_ =	shalt  }
0x74: {  	_ =	shalt  }
0x75: {  	_ =	shalt  }
0x76: {  	_ =	shalt  }
0x77: {  	_ =	shalt  }
0x78: {  	_ =	shalt  }
0x79: {  	_ =	shalt  }
0x7a: {  	_ =	shalt  }
0x7b: {  	_ =	shalt  }
0x7c: {  	_ =	shalt  }
0x7d: {  	_ =	shalt  }
0x7e: {  	_ =	shalt  }
0x7f: {  	_ =	shalt  }
0x80: {  	_ =	shalt  }
0x81: {  	_ =	shalt  }
0x82: {  	_ =	shalt  }
0x83: {  	_ =	shalt  }
0x84: {  	_ =	shalt  }
0x85: {  	_ =	shalt  }
0x86: {  	_ =	shalt  }
0x87: {  	_ =	shalt  }
.Lfunc_end0:
.L_simem_size_0:
called_computation.1_lowered:
.L_overlay_start_0:
0x88: {  	s2 =	sld [smem:$0x3FD9]  }
0x89: {  	s3 =	sld [smem:$0x3FFE];
	_ =	sdelay $0x1  }
0x8a: {  	s1 =	srdreg.scid  }
0x8b: {  	s0 =	sand.u32 $0x1, s1  }
0x8c: {  	s17 =	sshll.u32 s0, $0xA;
	s2 =	sadd.s32 s3, s2  }
0x8d: {  	s2 =	sadd.s32 s2, s17  }
0x8e: {  	[smem:$0x3FC3] =	sst s2  }
0x8f: {  	_ = 	snop  }
0x90: {  	s18 =	sld [smem:$0x3FD0];
	(tm) =	ssettm $0x1  }
0x91: {  	s19 =	sld [smem:$0x3FFB];
	_ =	sdelay $0x3  }
0x92: {  	_ =	strace s19  }
0x93: {  	s2 =	sld [smem:$0x3FFC];
	_ =	sdelay $0x3  }
0x94: {  	_ =	strace s2  }
0x95: {  	s2 =	sld [smem:$0x3FFD];
	_ =	sdelay $0x3  }
0x96: {  	_ =	strace s2  }
0x97: {  	_ =	strace $0x8FFFFFFF  }
0x98: {  	s20 =	sld [smem:$0x3FDB];
	_ =	sdelay $0x1  }
0x99: {  	s4 =	simm.s32 $_scs_section_size  }
0x9a: {  	s5 =	simm.s32 $_size__tile_overlayer_lowered;
	s6 =	simm.s32 $_tile_overlayer_lowered  }
0x9b: {  	s7 =	simm.s32 $0x1BFF;
	s21 =	sshll.u32 s6, $0x1;
	s4 =	sadd.s32 s4, s20  }
0x9c: {  	s22 =	simm.s32 $0x0;
	s5 =	sshll.u32 s5, $0x1;
	s6 =	sadd.s32 s21, s4  }
0x9d: {  	[timem:s22], [sflag:s7] =	dma.local [hbm:s6], s5  }
0x9e: {  	_ =	swait.ge [sflag:s7], s5  }
0x9f: {  	s5 =	ssub.s32 $0x0, s5;
	[sflag:s7] =	ssyncset.done $0x0  }
0xa0: {  	[sflag:s7] =	ssyncadd.s32 s5;
	_ =	sdelay $0x1  }
0xa1: {  	s23 =	simm.s32 $0x1B8B  }
0xa2: {  	_ =	swait.ge [sflag:s23], $0x1  }
0xa3: {  	[sflag:s23] =	ssyncset.done $0x0  }
0xa4: {  	[sflag:s23] =	ssyncadd.s32 $0xFFFFFFFF  }
0xa5: {  	s5 =	sld [smem:$0x0]  }
0xa6: {  	s6 =	sand.u32 $0xFFFFFFFE, s1  }
0xa7: {  	p0 =	sne.s32 s1, s6  }
0xa8: {  	s6 =	sshll.u32 @p0 s6, $0xE  }
0xa9: {  	s6 =	sadd.s32 @p0 $0x11B8D, s6;
	s7 =	sshll.u32 @p0 s5, $0x11  }
0xaa: {  	s6 =	sor.u32 @p0 s7, s6  }
0xab: {  	[sflag:s6] =	ssyncadd.remote.s32 @p0 $0x1;
	_ =	sdelay $0x1  }
0xac: {  	s6 =	simm.s32 @p0 $0x1B8D  }
0xad: {  	_ =	swait.eq @p0 [sflag:s6], $0x1  }
0xae: {  	[sflag:s6] =	ssyncadd.s32 @p0 $0xFFFFFFFF  }
0xaf: {  	s7 =	sshll.u32 @!p0 s1, $0xE  }
0xb0: {  	s7 =	sor.u32 @!p0 $0x4000, s7;
	s6 =	simm.s32 @!p0 $0x1B8D  }
0xb1: {  	s5 =	sshll.u32 @!p0 s5, $0x11;
	s7 =	sadd.s32 @!p0 $0x11B8D, s7;
	_ =	swait.eq @!p0 [sflag:s6], $0x1  }
0xb2: {  	s5 =	sor.u32 @!p0 s5, s7;
	[sflag:s6] =	ssyncadd.s32 @!p0 $0xFFFFFFFF  }
0xb3: {  	s25 =	simm.s32 $0x1B8E;
	s24 =	sld [smem:$0x3FFE];
	[sflag:s5] =	ssyncadd.remote.s32 @!p0 $0x1  }
0xb4: {  	s26 =	simm.s32 $execute0_lowered;
	[smem:$0x3FD2] =	sst s25  }
0xb5: {  	s6 =	sshll.u32 s26, $0x1;
	_ =	strace $0x80000049;
	[dreg:$0x1] =	wrdreg $0xFFFFFFFF  }
0xb6: {  	s28 =	simm.s32 $_size_execute0_lowered;
	s4 =	sadd.s32 s4, s6;
	[dreg:$0x0] =	wrdreg $0x0  }
0xb7: {  	s6 =	sshll.u32 s28, $0x1;
	[dreg:$0x2] =	wrdreg s4  }
0xb8: {  	[dreg:$0x3] =	wrdreg s6  }
0xb9: {  	[dreg:$0x4] =	wrdreg $0xC0  }
0xba: {  	_ =	task [dreg:s22], $0x5FFFF  }
0xbb: {  	[dreg:$0x1] =	wrdreg $0xFFFFFFFF  }
0xbc: {  	[dreg:$0x0] =	wrdreg $0x60  }
0xbd: {  	[dreg:$0x2] =	wrdreg s18  }
0xbe: {  	[dreg:$0x3] =	wrdreg s24  }
0xbf: {  	[dreg:$0x4] =	wrdreg $0x41800  }
0xc0: {  	[dreg:$0x5] =	wrdreg $0xA  }
0xc1: {  	_ =	task.clear_ibuf [dreg:s22], $0x6FFFF;
	_ =	strace $0x90000049  }
0xc2: {  	s29 =	simm.s32 $0xA;
	_ =	strace $0x8000004B  }
0xc3: {  	_ =	swait.ge [sflag:s29], $0x1  }
0xc4: {  	[sflag:s29] =	ssyncadd.s32 $0xFFFFFFFF  }
0xc5: {  	_ =	strace $0x9000004B  }
0xc6: {  	_ =	sfence  }
0xc7: {  	s30 =	sld [smem:$0x0];
	_ =	sdelay $0x2  }
0xc8: {  	s31 =	sshll.u32 s1, $0xD;
	s1 =	sshrl.u32 s1, $0x2  }
0xc9: {  	s4 =	sand.u32 $0x4000, s31;
	s1 =	sadd.s32 s1, s30  }
0xca: {  	s0 =	sor.u32 s4, s0;
	s1 =	sshll.u32 s1, $0x11  }
0xcb: {  	s0 =	sor.u32 s1, s0  }
0xcc: {  	s0 =	sadd.s32 $0x8F2B, s0  }
0xcd: {  	[sflag:s0] =	ssyncadd.remote.s32 $0x1  }
0xce: {  	_ =	sfence.sel $0xFFFF  }
0xcf: {  	[dreg:$0x0] =	wrdreg $0xFFFFFFFF;
	(pc) =	sbr.abs _section_cstart, $3  }
0xd0: {  	[dreg:$0x1] =	wrdreg $0xFFFFFFFF  }
0xd1: {  	_ =	task.clear_ibuf [dreg:s22], $0x2FFFF;
	_ =	strace $0x9FFFFFFF  }
0xd2: {  	(tm) =	ssettm $0x7FFFFFFF  }
0xd3: {  	_ =	shalt  }
tec
execute0_lowered:
.L_overlay_start_1:
0x0: {  	(tag) =	ssettag $0x1  }
0x1: {  	s11 =	rddreg [dreg:$0x0]  }
0x2: {  	s6 =	rddreg [dreg:$0x1]  }
0x3: {  	s1 =	rddreg [dreg:$0x2];
	s2 =	srdreg.scid  }
0x4: {  	s0 =	rddreg [dreg:$0x3];
	s3 =	simm.s32 $0x0;
	s7 =	sand.u32 $0x1, s2  }
0x5: {  	s17 =	simm.s32 $0x80;
	s2 =	stileid.u32;
	s8 =	smul.u32 $0x13C000, s7  }
0x6: {  	[smem:$0x7FF] =	sst s3;
	s4 =	sadd.s32 $0xAE00, s6;
	s9 =	smul.u32 $0x13C00, s2  }
0x7: {  	s5 =	sadd.s32 $0x5C600, s6;
	_ =	strace $0x8000004A;
	s18 =	smul.u32 $0x4F000, s2  }
0x8: {  	s10 =	sshll.u32 s7, $0x4;
	s19 =	ssub.s32 $0x2, s7;
	s23 =	smul.u32 $0x4E0, s7  }
0x9: {  	s24 =	sshll.u32 s2, $0x6;
	s25 =	smul.u32 $0x4E, s2;
	s28 =	sshll.u32 s2, $0x4  }
0xa: {  	s21 =	sor.u32 s2, s10;
	s20 =	sshrl.u32 s19, $0x1;
	s7 =	sor.u32 $0x1C07, s24  }
0xb: {  	s30 =	sadd.s32 s28, s11;
	s24 =	simm.s32 $0x0;
	s12 =	smul.u32 $0x4E0, s21  }
0xc: {  	s8 =	sadd.s32 s9, s8;
	s14 =	smul.u32 $0x2700, s21;
	s15 =	ssub.s32 s19, s20  }
0xd: {  	s22 =	sshrl.u32 s18, $0x2;
	s9 =	sadd.s32 s25, s23;
	s10 =	sadd.s32 $0x9C00, s30  }
0xe: {  	s18 =	simm.s32 $0x100;
	s19 =	simm.s32 $0x5;
	s20 =	simm.s32 $0x3  }
0xf: {  	p0 =	sgt.u32 s21, $0x3;
	s21 =	simm.s32 $0x6;
	s23 =	simm.s32 $0x2  }
0x10: {  	s8 =	sshrl.u32 s8, $0x3;
	s16 =	sadd.s32 s22, s1;
	s31 =	sshll.u32 s9, $0x4  }
.Ltmp0:
0x11: {  	s22 =	simm.s32 $0x4;
	s13 =	sadd.s32 s8, s6;
	(pc) =	sbr.rel .LBB2_1-.Ltmp0, $4  }
0x12: {  	s6 =	sadd.s32 s11, s12;
	s26 =	sshrl.u32 s14, $0x3;
	s14 =	sadd.s32 s11, s31  }
0x13: {  	s12 =	smax.u32 s15, $0x1;
	s15 =	simm.s32 $0x7;
	s8 =	sadd.s32 $0x10, s6  }
0x14: {  	s29 =	sadd.s32 s11, s26;
	s11 =	sadd.s32 $0x5CE00, s13;
	s13 =	sadd.s32 $0x20, s14  }
0x15: {  	s14 =	sshrl.u32 s16, $0x3;
	s16 =	simm.s32 $0x180;
	s9 =	sadd.s32 $0x20, s29  }
.LBB2_8:
0x16: {  	_ =	swait.ge [sflag:s21], $0x4000  }
0x17: {  	[sflag:s21] =	ssyncset.done $0x0  }
0x18: {  	s25 =	simm.s32 @!p0 $0x0;
	s26 =	simm.s32 @!p0 $0x7;
	[sflag:s21] =	ssyncadd.s32 $0xFFFFC000  }
0x19: {  	[tilespmem:s25], [sflag:$0x7] =	stream.linear.gather @!p0 [hbm4b:s10+s25], $0x80, $0x38;
	[tilespmem:$0x17D80] =	vst v63  }
0x1a: {  	_ =	swait.ge @!p0 [sflag:s26], $0x80  }
0x1b: {  	[sflag:s26] =	ssyncset.done @!p0 $0x0  }
0x1c: {  	s28 =	simm.s32 @!p0 $0x80;
	s29 =	simm.s32 @!p0 $0x180;
	[sflag:s26] =	ssyncadd.s32 @!p0 $0xFFFFFF80  }
0x1d: {  	[spmem:s1] =	stream.indirect.scatter.add.f32 @!p0 [tilespmem:s29], [sflag:$0x7], $0x80, s25, s28, $0xb8;
	[tilespmem:$0x17D80] =	vst v63  }
0x1e: {  	_ =	swait.ge @!p0 [sflag:s26], $0x4000  }
0x1f: {  	s24 =	sadd.s32 $0x1, s24;
	[sflag:s26] =	ssyncset.done @!p0 $0x0  }
0x20: {  	p1 =	sne.s32 s24, s12;
	[sflag:s26] =	ssyncadd.s32 @!p0 $0xFFFFC000  }
.Ltmp1:
0x21: {  	[bflag:$0x0] =	sbarrier.arrive $0xFFFF;
	(pc) =	sbr.rel @!p1 .LBB2_9-.Ltmp1, $4  }
0x22: {  	[hbm:s11], [sflag:s7] =	dma.local [spmem:s14], $0x2780  }
0x23: {  	_ =	swait.ge [sflag:s15], $0x2780  }
0x24: {  	[sflag:s15] =	ssyncset.done $0x0  }
0x25: {  	[sflag:s15] =	ssyncadd.s32 $0xFFFFD880  }
.LBB2_1:
0x26: {  	[spmem:s14], [sflag:s7] =	dma.local [hbm:s4], $0x2780  }
0x27: {  	_ =	swait.ge [sflag:s15], $0x2780  }
0x28: {  	[sflag:s15] =	ssyncset.done $0x0  }
0x29: {  	[sflag:s15] =	ssyncadd.s32 $0xFFFFD880  }
0x2a: {  	[tilespmem:s16], [sflag:$0x7] =	stream.linear.gather [hbm4b:s5+s3], $0x4000, $0x38;
	[tilespmem:$0x17D80] =	vst v63  }
0x2b: {  	_ =	swait.ge [sflag:s15], $0x4000  }
0x2c: {  	[sflag:s15] =	ssyncset.done $0x0  }
0x2d: {  	[sflag:s15] =	ssyncadd.s32 $0xFFFFC000  }
0x2e: {  	[tilespmem:s3], [sflag:$0x7] =	stream.linear.gather [hbm4b:s6+s3], $0x80, $0x38;
	[tilespmem:$0x17D80] =	vst v63  }
0x2f: {  	_ =	swait.ge [sflag:s15], $0x80  }
0x30: {  	[sflag:s15] =	ssyncset.done $0x0  }
0x31: {  	[sflag:s15] =	ssyncadd.s32 $0xFFFFFF80  }
0x32: {  	[tilespmem:s17], [sflag:$0x2] =	stream.linear.gather [hbm4b:s8+s3], $0x80, $0x38;
	[tilespmem:$0x17D80] =	vst v63  }
.Ltmp2:
0x33: {  	_ = 	snop;
	(pc) =	sbr.rel .LBB2_2-.Ltmp2, $4  }
0x34: {  	_ = 	snop  }
0x35: {  	[tilespmem:s18], [sflag:$0x3] =	stream.linear.gather [hbm4b:s9+s3], $0x80, $0x38;
	[tilespmem:$0x17D80] =	vst v63  }
0x36: {  	[bflag:$0x0] =	sbarrier.arrive $0xFFFF  }
0x37: {  	s25 =	smov.u32 s13;
	s26 =	simm.s32 $0x0  }
.LBB2_6:
0x38: {  	_ =	swait.ge [sflag:s19], $0x4000  }
0x39: {  	[sflag:s19] =	ssyncset.done $0x0  }
0x3a: {  	[sflag:s19] =	ssyncadd.s32 $0xFFFFC000  }
0x3b: {  	_ =	swait.ge [sflag:s20], $0x80  }
0x3c: {  	[sflag:s20] =	ssyncset.done $0x0  }
0x3d: {  	p1 =	sgt.u32 s26, $0x4B;
	[sflag:s20] =	ssyncadd.s32 $0xFFFFFF80  }
0x3e: {  	[spmem:s1] =	stream.indirect.scatter.add.f32 [tilespmem:s16], [sflag:$0x6], $0x80, s18, s17, $0xb8;
	[tilespmem:$0x17D80] =	vst v63  }
0x3f: {  	s28 =	simm.s32 @!p1 $0x0;
	s29 =	simm.s32 @!p1 $0x80  }
0x40: {  	[tilespmem:s29], [sflag:$0x2] =	stream.linear.gather @!p1 [hbm4b:s25+s28], $0x80, $0x38;
	[tilespmem:$0x17D80] =	vst v63  }
.LBB2_7:
0x41: {  	s26 =	sadd.s32 $0x1, s26  }
0x42: {  	p1 =	sne.s32 s26, $0x4E  }
.Ltmp3:
0x43: {  	_ = 	snop;
	(pc) =	sbr.rel @!p1 .LBB2_8-.Ltmp3, $2  }
0x44: {  	_ =	sdelay $0x2  }
0x45: {  	s25 =	sadd.s32 $0x10, s25  }
.LBB2_2:
0x46: {  	s28 =	smul.u32 $0xAB, s26;
	_ =	sdelay $0x1  }
0x47: {  	s28 =	sshrl.u32 s28, $0x9  }
0x48: {  	s28 =	sand.u32 $0x7F, s28  }
0x49: {  	s28 =	smul.u32 $0x3, s28;
	_ =	sdelay $0x1  }
0x4a: {  	s28 =	ssub.s32 s26, s28  }
0x4b: {  	s28 =	sand.u32 $0xFF, s28  }
0x4c: {  	p1 =	seq.s32 s28, $0x2  }
.Ltmp4:
0x4d: {  	_ = 	snop;
	(pc) =	sbr.rel @p1 .LBB2_6-.Ltmp4, $1  }
0x4e: {  	_ =	sdelay $0x3  }
0x4f: {  	p1 =	seq.s32 s28, $0x1  }
.Ltmp5:
0x50: {  	_ = 	snop;
	(pc) =	sbr.rel @!p1 .LBB2_4-.Ltmp5, $1  }
0x51: {  	_ =	sdelay $0x3  }
0x52: {  	_ =	swait.ge [sflag:s22], $0x4000  }
0x53: {  	[sflag:s22] =	ssyncset.done $0x0  }
0x54: {  	[sflag:s22] =	ssyncadd.s32 $0xFFFFC000  }
0x55: {  	_ =	swait.ge [sflag:s23], $0x80  }
.Ltmp6:
0x56: {  	[sflag:s23] =	ssyncset.done $0x0;
	(pc) =	sbr.rel .LBB2_7-.Ltmp6, $4  }
0x57: {  	p1 =	sgt.u32 s26, $0x4B;
	[sflag:s23] =	ssyncadd.s32 $0xFFFFFF80  }
0x58: {  	[spmem:s1] =	stream.indirect.scatter.add.f32 [tilespmem:s16], [sflag:$0x5], $0x80, s17, s17, $0xb8;
	[tilespmem:$0x17D80] =	vst v63  }
0x59: {  	s28 =	simm.s32 @!p1 $0x0  }
0x5a: {  	[tilespmem:s28], [sflag:$0x1] =	stream.linear.gather @!p1 [hbm4b:s25+s28], $0x80, $0x38;
	[tilespmem:$0x17D80] =	vst v63  }
.LBB2_4:
0x5b: {  	p1 =	sne.s32 s26, $0x0  }
0x5c: {  	s28 =	simm.s32 @p1 $0x6  }
0x5d: {  	_ =	swait.ge @p1 [sflag:s28], $0x4000  }
0x5e: {  	[sflag:s28] =	ssyncset.done @p1 $0x0  }
0x5f: {  	[sflag:s28] =	ssyncadd.s32 @p1 $0xFFFFC000;
	s28 =	simm.s32 @p1 $0x1  }
0x60: {  	_ =	swait.ge @p1 [sflag:s28], $0x80  }
0x61: {  	s29 =	simm.s32 @p1 $0x0;
	s30 =	simm.s32 @p1 $0x180;
	[sflag:s28] =	ssyncset.done @p1 $0x0  }
0x62: {  	p2 =	sgt.u32 @p1 s26, $0x4B;
	[sflag:s28] =	ssyncadd.s32 @p1 $0xFFFFFF80;
	s28 =	simm.s32 @p1 $0x80  }
0x63: {  	[spmem:s1] =	stream.indirect.scatter.add.f32 @p1 [tilespmem:s30], [sflag:$0x4], $0x80, s29, s28, $0xb8;
	[tilespmem:$0x17D80] =	vst v63  }
.Ltmp7:
0x64: {  	p2 =	por p2, !p1;
	(pc) =	sbr.rel .LBB2_7-.Ltmp7, $4  }
0x65: {  	s28 =	simm.s32 @!p2 $0x0;
	s29 =	simm.s32 @!p2 $0x100  }
0x66: {  	[tilespmem:s29], [sflag:$0x3] =	stream.linear.gather @!p2 [hbm4b:s25+s28], $0x80, $0x38;
	[tilespmem:$0x17D80] =	vst v63  }
0x67: {  	s30 =	simm.s32 @!p1 $0x180;
	s28 =	simm.s32 @!p1 $0x80;
	s29 =	simm.s32 @!p1 $0x0  }
0x68: {  	[spmem:s1] =	stream.indirect.scatter.add.f32 @!p1 [tilespmem:s30], [sflag:$0x4], $0x80, s29, s28, $0xb8;
	[tilespmem:$0x17D80] =	vst v63  }
.LBB2_9:
0x69: {  	_ =	sfence.sel $0x180000  }
0x6a: {  	[bflag:$0x0] =	sbarrier.arrive $0xFFFF  }
0x6b: {  	p0 =	sne.s32 s2, $0x0;
	_ =	strace $0x9000004A  }
0x6c: {  	s0 =	sadd.s32 @!p0 $0x100000, s0;
	[bflag:$0x2] =	sbarrier.arrive $0xFFFF  }
0x6d: {  	[sflag:s0] =	ssyncadd.tile.s32 @!p0 $0x1;
	_ =	shalt  }
.Lfunc_end2:
_tile_overlayer_lowered:
.L_overlay_start_2:
0x6e: {  	(tag) =	ssettag $0x2  }
0x6f: {  	s0 =	rddreg [dreg:$0x0];
	s2 =	stileid.u32  }
0x70: {  	s1 =	rddreg [dreg:$0x1];
	p0 =	sne.s32 s2, $0x0  }
0x71: {  	s3 =	rddreg [dreg:$0x2];
	[bflag:$0x3] =	sbarrier.arrive $0xFFFF;
	s2 =	simm.s32 @!p0 $0x1C07  }
0x72: {  	[timem:s3], [sflag:s2] =	dma.local @!p0 [hbm:s0], s1  }
0x73: {  	s0 =	simm.s32 @!p0 $0x7  }
0x74: {  	_ =	swait.ge @!p0 [sflag:s0], s1  }
0x75: {  	s1 =	ssub.s32 @!p0 $0x0, s1;
	[sflag:s0] =	ssyncset.done @!p0 $0x0  }
0x76: {  	[sflag:s0] =	ssyncadd.s32 @!p0 s1  }
0x77: {  	[bflag:$0x3] =	sbarrier.arrive $0xFFFF  }
0x78: {  	_ =	shalt  }

</sc_bundles>
